<compile_context>
chip_gen: v7x
topology: tpu7x:2x2x1
jax: 0.10.2.dev20260603
libtpu: 0.0.44.dev20260713+nightly
codegen_flags: <defaults>
</compile_context>

<pallas_src>
import functools

import jax
import jax.numpy as jnp
from jax import lax
from jax.experimental import pallas as pl
from jax.experimental.pallas import tpu as pltpu
from jax.experimental.pallas import tpu_sc as plsc


_F32 = jnp.float32


def _xab_body(x_ref, wa_ref, wb_ref, xa_ref, xb_ref):
    xv = x_ref[...]
    xa_ref[...] = jnp.dot(xv, wa_ref[...], preferred_element_type=_F32)
    xb_ref[...] = jnp.dot(xv, wb_ref[...], preferred_element_type=_F32)


def _c_body(ea_ref, wc_ref, b_ref, c_ref, *, BE, E):
    i = pl.program_id(0)
    rows = jax.lax.broadcasted_iota(jnp.int32, (BE, 1), 0) + i * BE
    val = (jnp.dot(ea_ref[...], wc_ref[...], preferred_element_type=_F32)
           + b_ref[...])
    c_ref[...] = jnp.where(rows < E, val, jnp.float32(-1e30))


def _gru_body(p0_ref, p1_ref, x_ref, wza, wzb, wra, wrb, wha, whb,
              bz_r, br_r, bh_r, o_ref):
    agg = p0_ref[...] + p1_ref[...]
    xv = x_ref[...]
    z = jax.nn.sigmoid(
        jnp.dot(agg, wza[...], preferred_element_type=_F32)
        + jnp.dot(xv, wzb[...], preferred_element_type=_F32) + bz_r[...])
    r = jax.nn.sigmoid(
        jnp.dot(agg, wra[...], preferred_element_type=_F32)
        + jnp.dot(xv, wrb[...], preferred_element_type=_F32) + br_r[...])
    h = jnp.tanh(
        jnp.dot(agg, wha[...], preferred_element_type=_F32)
        + jnp.dot(r * xv, whb[...], preferred_element_type=_F32) + bh_r[...])
    o_ref[...] = (1.0 - z) * xv + z * h


def _make_edge_stage(N, D, G, NC, NS, R, ZR):
    mesh = plsc.VectorSubcoreMesh(core_axis_name="c", subcore_axis_name="s",
                                  num_cores=NC)

    @functools.partial(
        pl.kernel,
        mesh=mesh,
        out_type=jax.ShapeDtypeStruct((NC * N, D), _F32),
        scratch_types=[
            pltpu.VMEM((2, 2, G), jnp.int32),
            pltpu.VMEM((G, D), _F32),
            pltpu.VMEM((G, D), _F32),
            pltpu.VMEM((G, D), _F32),
            pltpu.VMEM_SHARED((N, D), _F32),
            pltpu.SemaphoreType.DMA,
            pltpu.SemaphoreType.DMA,
            pltpu.SemaphoreType.DMA,
            pltpu.SemaphoreType.DMA,
        ],
    )
    def edge_stage(xa_hbm, xb_hbm, c_hbm, idx_hbm, out_hbm,
                   idx_v, buf_a, buf_b, buf_c, agg_sh,
                   sem_a, sem_b, sem_c, sem_i):
        cid = lax.axis_index("c")
        sid = lax.axis_index("s")
        wid = cid * NS + sid
        zstart = jnp.minimum(sid * ZR, N - ZR)

        def _zrow(i, carry):
            for j in range(D // 16):
                buf_a[i, pl.ds(j * 16, 16)] = jnp.zeros((16,), _F32)
            return carry
        lax.fori_loop(0, G, _zrow, 0)
        for k in range(ZR // G):
            pltpu.sync_copy(buf_a, agg_sh.at[pl.ds(zstart + k * G, G)])
        rem = ZR % G
        if rem:
            pltpu.sync_copy(buf_a.at[pl.ds(0, rem)],
                            agg_sh.at[pl.ds(zstart + (ZR // G) * G, rem)])
        plsc.subcore_barrier()

        base = wid * R

        pltpu.sync_copy(idx_hbm.at[pl.ds(base, 1)], idx_v.at[pl.ds(0, 1)])
        pltpu.async_copy(idx_hbm.at[pl.ds(base + 1, 1)],
                         idx_v.at[pl.ds(1, 1)], sem_i)
        pltpu.async_copy(xa_hbm.at[idx_v.at[0, 0]], buf_a, sem_a)
        pltpu.async_copy(xb_hbm.at[idx_v.at[0, 1]], buf_b, sem_b)
        pltpu.async_copy(c_hbm.at[pl.ds(base * G, G)], buf_c, sem_c)

        def _group(g, carry):
            slot = lax.rem(g, 2)
            slot1 = lax.rem(g + 1, 2)
            pltpu.make_async_copy(c_hbm.at[pl.ds(0, G)], buf_a, sem_a).wait()
            pltpu.make_async_copy(c_hbm.at[pl.ds(0, G)], buf_b, sem_b).wait()
            pltpu.make_async_copy(c_hbm.at[pl.ds(0, G)], buf_c, sem_c).wait()
            pltpu.make_async_copy(idx_hbm.at[pl.ds(0, 1)],
                                  idx_v.at[pl.ds(slot1, 1)], sem_i).wait()

            def _row(i, rc):
                for k in range(D // 16):
                    s = pl.ds(k * 16, 16)
                    v = buf_a[i, s] + buf_b[i, s] + buf_c[i, s]
                    buf_c[i, s] = jnp.maximum(v, 0.0)
                return rc
            lax.fori_loop(0, G, _row, 0)

            g1 = jnp.minimum(g + 1, R - 1)
            pltpu.async_copy(xa_hbm.at[idx_v.at[slot1, 0]], buf_a, sem_a)
            pltpu.async_copy(xb_hbm.at[idx_v.at[slot1, 1]], buf_b, sem_b)

            pltpu.sync_copy(buf_c, agg_sh.at[idx_v.at[slot, 1]], add=True)

            pltpu.async_copy(c_hbm.at[pl.ds((base + g1) * G, G)], buf_c,
                             sem_c)
            g2 = jnp.minimum(g + 2, R - 1)
            pltpu.async_copy(idx_hbm.at[pl.ds(base + g2, 1)],
                             idx_v.at[pl.ds(slot, 1)], sem_i)
            return carry
        lax.fori_loop(0, R, _group, 0)

        pltpu.make_async_copy(c_hbm.at[pl.ds(0, G)], buf_a, sem_a).wait()
        pltpu.make_async_copy(c_hbm.at[pl.ds(0, G)], buf_b, sem_b).wait()
        pltpu.make_async_copy(c_hbm.at[pl.ds(0, G)], buf_c, sem_c).wait()
        pltpu.make_async_copy(idx_hbm.at[pl.ds(0, 1)],
                              idx_v.at[pl.ds(0, 1)], sem_i).wait()

        plsc.subcore_barrier()
        pltpu.sync_copy(agg_sh.at[pl.ds(zstart, ZR)],
                        out_hbm.at[pl.ds(cid * N + zstart, ZR)])

    return edge_stage


def kernel(x, edge_index, edge_attr, W1, b1, Wz, bz, Wr, br, Wh, bh):
    N, D = x.shape
    E = edge_index.shape[1]
    DE = edge_attr.shape[1]

    G = 128
    NC, NS = 2, 16
    R = -(-E // (NC * NS * G))
    E_pad = NC * NS * R * G
    ZR = (-(-N // NS) + 7) // 8 * 8

    src = edge_index[0]
    dst = edge_index[1]
    pad = E_pad - E
    src_p = jnp.pad(src, (0, pad)).reshape(E_pad // G, G)
    dst_p = jnp.pad(dst, (0, pad)).reshape(E_pad // G, G)
    idx_all = jnp.stack([src_p, dst_p], axis=1)
    ea_p = jnp.pad(edge_attr, ((0, pad), (0, 0)))

    W1a = W1[:D]
    W1b = W1[D:2 * D]
    W1c = W1[2 * D:]


    BN = 2000
    xa, xb = pl.pallas_call(
        _xab_body,
        grid=(N // BN,),
        in_specs=[
            pl.BlockSpec((BN, D), lambda i: (i, 0)),
            pl.BlockSpec((D, D), lambda i: (0, 0)),
            pl.BlockSpec((D, D), lambda i: (0, 0)),
        ],
        out_specs=[pl.BlockSpec((BN, D), lambda i: (i, 0))] * 2,
        out_shape=[jax.ShapeDtypeStruct((N, D), _F32)] * 2,
    )(x, W1a, W1b)

    BE = 4096
    c = pl.pallas_call(
        functools.partial(_c_body, BE=BE, E=E),
        grid=(E_pad // BE,),
        in_specs=[
            pl.BlockSpec((BE, DE), lambda i: (i, 0)),
            pl.BlockSpec((DE, D), lambda i: (0, 0)),
            pl.BlockSpec((1, D), lambda i: (0, 0)),
        ],
        out_specs=pl.BlockSpec((BE, D), lambda i: (i, 0)),
        out_shape=jax.ShapeDtypeStruct((E_pad, D), _F32),
    )(ea_p, W1c, b1.reshape(1, D))

    edge_stage = _make_edge_stage(N, D, G, NC, NS, R, ZR)
    partials = edge_stage(xa, xb, c, idx_all)

    BG = 2000
    NB = N // BG
    wspec = pl.BlockSpec((D, D), lambda i: (0, 0))
    bspec = pl.BlockSpec((1, D), lambda i: (0, 0))
    nspec = pl.BlockSpec((BG, D), lambda i: (i, 0))
    p0spec = pl.BlockSpec((BG, D), lambda i: (i, 0))
    p1spec = pl.BlockSpec((BG, D), lambda i: (i + NB, 0))
    new_mem = pl.pallas_call(
        _gru_body,
        grid=(NB,),
        in_specs=[p0spec, p1spec, nspec,
                  wspec, wspec, wspec, wspec, wspec, wspec,
                  bspec, bspec, bspec],
        out_specs=nspec,
        out_shape=jax.ShapeDtypeStruct((N, D), _F32),
    )(partials, partials, x,
      Wz[:D], Wz[D:], Wr[:D], Wr[D:], Wh[:D], Wh[D:],
      bz.reshape(1, D), br.reshape(1, D), bh.reshape(1, D))

    return new_mem

# --- scband reference (transcript-rebuilt; emitter-appended) ---
"""Pipeline reference for scband-ti-local-message-passing-12352325943449 (READ-ONLY COPY).

The authoritative reference and input builder live on the scoring server;
editing this copy changes nothing except your own understanding.
"""

import jax, jax.numpy as jnp
import numpy as np

N = 10000
E = 320000
D = 128
DE = 16

def setup_inputs(seed: int = 0) -> dict:
    key = jax.random.key(seed)
    ks = jax.random.split(key, 12)
    x = jax.random.normal(ks[0], (N, D), dtype=jnp.float32)
    edge_index = jax.random.randint(ks[1], (2, E), 0, N, dtype=jnp.int32)
    edge_attr = jax.random.normal(ks[2], (E, DE), dtype=jnp.float32)
    s = 1.0 / np.sqrt(D)
    W1 = jax.random.normal(ks[3], (2 * D + DE, D), dtype=jnp.float32) * s
    b1 = jnp.zeros((D,), dtype=jnp.float32)
    Wz = jax.random.normal(ks[4], (2 * D, D), dtype=jnp.float32) * s
    bz = jnp.zeros((D,), dtype=jnp.float32)
    Wr = jax.random.normal(ks[5], (2 * D, D), dtype=jnp.float32) * s
    br = jnp.zeros((D,), dtype=jnp.float32)
    Wh = jax.random.normal(ks[6], (2 * D, D), dtype=jnp.float32) * s
    bh = jnp.zeros((D,), dtype=jnp.float32)
    return {"x": x, "edge_index": edge_index, "edge_attr": edge_attr,
            "W1": W1, "b1": b1, "Wz": Wz, "bz": bz, "Wr": Wr, "br": br, "Wh": Wh, "bh": bh}

def reference(x, edge_index, edge_attr, W1, b1, Wz, bz, Wr, br, Wh, bh):
    # Causal local dual-directed message passing step:
    # 1) readout source and dest node memories per edge (gather)
    src = edge_index[0]
    dst = edge_index[1]
    x_src = jnp.take(x, src, axis=0)
    x_dst = jnp.take(x, dst, axis=0)
    # 2) message builder: MLP over [src_mem, dest_mem, edge_feat]
    msg_in = jnp.concatenate([x_src, x_dst, edge_attr], axis=-1)
    m = jax.nn.relu(msg_in @ W1 + b1)
    # 3) message aggregator: scatter-add (sum) onto destination nodes
    agg = jax.ops.segment_sum(m, dst, num_segments=N)
    # 4) memory updater: GRU cell (agg message as input, node memory as hidden)
    hcat = jnp.concatenate([agg, x], axis=-1)
    z = jax.nn.sigmoid(hcat @ Wz + bz)
    r = jax.nn.sigmoid(hcat @ Wr + br)
    h = jnp.tanh(jnp.concatenate([agg, r * x], axis=-1) @ Wh + bh)
    # 5) dest memory write-in (overwrite): new memory returned for all dest nodes
    new_mem = (1.0 - z) * x + z * h
    return new_mem

if __name__ == "__main__":
    import jax
    _d = setup_inputs()
    print(jax.jit(kernel)(*tuple(_d.values())))

</pallas_src>

<mosaic_0001>
#map = affine_map<(d0, d1) -> (0, 0)>
#map1 = affine_map<(d0, d1) -> (0, 0, 0)>
module attributes {stable_mosaic.version = 14 : i64} {
  func.func @edge_stage(%arg0: i32, %arg1: i32, %arg2: memref<10000x128xf32, #tpu.memory_space<hbm>>, %arg3: memref<10000x128xf32, #tpu.memory_space<hbm>>, %arg4: memref<323584x128xf32, #tpu.memory_space<hbm>>, %arg5: memref<2528x2x128xi32, #tpu.memory_space<hbm>>, %arg6: memref<20000x128xf32, #tpu.memory_space<hbm>>, %arg7: memref<2x2x128xi32, #tpu.memory_space<vmem>>, %arg8: memref<128x128xf32, #tpu.memory_space<vmem>>, %arg9: memref<128x128xf32, #tpu.memory_space<vmem>>, %arg10: memref<128x128xf32, #tpu.memory_space<vmem>>, %arg11: memref<10000x128xf32, #tpu.memory_space<vmem_shared>>, %arg12: memref<!tpu.dma_semaphore, #tpu.memory_space<semaphore_mem>>, %arg13: memref<!tpu.dma_semaphore, #tpu.memory_space<semaphore_mem>>, %arg14: memref<!tpu.dma_semaphore, #tpu.memory_space<semaphore_mem>>, %arg15: memref<!tpu.dma_semaphore, #tpu.memory_space<semaphore_mem>>) attributes {dimension_semantics = [#tpu.dimension_semantics<core_parallel>, #tpu.dimension_semantics<subcore_parallel>], iteration_bounds = array<i64: 2, 16>, scalar_prefetch = 0 : i64, scratch_operands = 9 : i64, tpu.core_type = #tpu.core_type<sc_vector_subcore>, window_params = [{transform_indices = #map}, {transform_indices = #map}, {transform_indices = #map}, {transform_indices = #map1}, {transform_indices = #map}]} {
    %mul3A = arith.constant 16 : i32
    %mul3A_0 = arith.muli %arg0, %mul3A : i32
    %add3A = arith.addi %mul3A_0, %arg1 : i32
    %mul3A_1 = arith.constant 632 : i32
    %mul3A_2 = arith.muli %arg1, %mul3A_1 : i32
    %min3A = arith.constant 9368 : i32
    %min3A_3 = arith.minsi %mul3A_2, %min3A : i32
    %scan3A = arith.constant 0 : i32
    %scan3A_4 = arith.constant 0 : i32
    %scan3A_5 = arith.constant 128 : i32
    %scan3A_6 = arith.addi %scan3A_4, %scan3A_5 : i32
    %scan3A_7 = arith.constant 1 : i32
    scf.for %scan3A_101 = %scan3A_4 to %scan3A_6 step %scan3A_7  : i32 {
      %broadcast_in_dim3A = arith.constant 0.000000e+00 : f32
      %broadcast_in_dim3A_102 = vector.broadcast %broadcast_in_dim3A : f32 to vector<16xf32>
      %swap3A = arith.index_cast %scan3A_101 : i32 to index
      %swap3A_103 = arith.constant 0 : index
      %swap3A_104 = tpu.vector_load %arg8[%swap3A, %swap3A_103] {strides = array<i32>} : memref<128x128xf32, #tpu.memory_space<vmem>>, vector<1x16xf32>,
      %swap3A_105 = vector.shape_cast %swap3A_104 : vector<1x16xf32> to vector<16xf32>
      %swap3A_106 = vector.shape_cast %broadcast_in_dim3A_102 : vector<16xf32> to vector<1x16xf32>
      tpu.vector_store %arg8[%swap3A, %swap3A_103], %swap3A_106 {strides = array<i32>} : memref<128x128xf32, #tpu.memory_space<vmem>>, vector<1x16xf32>,
      %broadcast_in_dim3A_107 = arith.constant 0.000000e+00 : f32
      %broadcast_in_dim3A_108 = vector.broadcast %broadcast_in_dim3A_107 : f32 to vector<16xf32>
      %swap3A_109 = arith.index_cast %scan3A_101 : i32 to index
      %swap3A_110 = arith.constant 16 : index
      %swap3A_111 = tpu.vector_load %arg8[%swap3A_109, %swap3A_110] {strides = array<i32>} : memref<128x128xf32, #tpu.memory_space<vmem>>, vector<1x16xf32>,
      %swap3A_112 = vector.shape_cast %swap3A_111 : vector<1x16xf32> to vector<16xf32>
      %swap3A_113 = vector.shape_cast %broadcast_in_dim3A_108 : vector<16xf32> to vector<1x16xf32>
      tpu.vector_store %arg8[%swap3A_109, %swap3A_110], %swap3A_113 {strides = array<i32>} : memref<128x128xf32, #tpu.memory_space<vmem>>, vector<1x16xf32>,
      %broadcast_in_dim3A_114 = arith.constant 0.000000e+00 : f32
      %broadcast_in_dim3A_115 = vector.broadcast %broadcast_in_dim3A_114 : f32 to vector<16xf32>
      %swap3A_116 = arith.index_cast %scan3A_101 : i32 to index
      %swap3A_117 = arith.constant 32 : index
      %swap3A_118 = tpu.vector_load %arg8[%swap3A_116, %swap3A_117] {strides = array<i32>} : memref<128x128xf32, #tpu.memory_space<vmem>>, vector<1x16xf32>,
      %swap3A_119 = vector.shape_cast %swap3A_118 : vector<1x16xf32> to vector<16xf32>
      %swap3A_120 = vector.shape_cast %broadcast_in_dim3A_115 : vector<16xf32> to vector<1x16xf32>
      tpu.vector_store %arg8[%swap3A_116, %swap3A_117], %swap3A_120 {strides = array<i32>} : memref<128x128xf32, #tpu.memory_space<vmem>>, vector<1x16xf32>,
      %broadcast_in_dim3A_121 = arith.constant 0.000000e+00 : f32
      %broadcast_in_dim3A_122 = vector.broadcast %broadcast_in_dim3A_121 : f32 to vector<16xf32>
      %swap3A_123 = arith.index_cast %scan3A_101 : i32 to index
      %swap3A_124 = arith.constant 48 : index
      %swap3A_125 = tpu.vector_load %arg8[%swap3A_123, %swap3A_124] {strides = array<i32>} : memref<128x128xf32, #tpu.memory_space<vmem>>, vector<1x16xf32>,
      %swap3A_126 = vector.shape_cast %swap3A_125 : vector<1x16xf32> to vector<16xf32>
      %swap3A_127 = vector.shape_cast %broadcast_in_dim3A_122 : vector<16xf32> to vector<1x16xf32>
      tpu.vector_store %arg8[%swap3A_123, %swap3A_124], %swap3A_127 {strides = array<i32>} : memref<128x128xf32, #tpu.memory_space<vmem>>, vector<1x16xf32>,
      %broadcast_in_dim3A_128 = arith.constant 0.000000e+00 : f32
      %broadcast_in_dim3A_129 = vector.broadcast %broadcast_in_dim3A_128 : f32 to vector<16xf32>
      %swap3A_130 = arith.index_cast %scan3A_101 : i32 to index
      %swap3A_131 = arith.constant 64 : index
      %swap3A_132 = tpu.vector_load %arg8[%swap3A_130, %swap3A_131] {strides = array<i32>} : memref<128x128xf32, #tpu.memory_space<vmem>>, vector<1x16xf32>,
      %swap3A_133 = vector.shape_cast %swap3A_132 : vector<1x16xf32> to vector<16xf32>
      %swap3A_134 = vector.shape_cast %broadcast_in_dim3A_129 : vector<16xf32> to vector<1x16xf32>
      tpu.vector_store %arg8[%swap3A_130, %swap3A_131], %swap3A_134 {strides = array<i32>} : memref<128x128xf32, #tpu.memory_space<vmem>>, vector<1x16xf32>,
      %broadcast_in_dim3A_135 = arith.constant 0.000000e+00 : f32
      %broadcast_in_dim3A_136 = vector.broadcast %broadcast_in_dim3A_135 : f32 to vector<16xf32>
      %swap3A_137 = arith.index_cast %scan3A_101 : i32 to index
      %swap3A_138 = arith.constant 80 : index
      %swap3A_139 = tpu.vector_load %arg8[%swap3A_137, %swap3A_138] {strides = array<i32>} : memref<128x128xf32, #tpu.memory_space<vmem>>, vector<1x16xf32>,
      %swap3A_140 = vector.shape_cast %swap3A_139 : vector<1x16xf32> to vector<16xf32>
      %swap3A_141 = vector.shape_cast %broadcast_in_dim3A_136 : vector<16xf32> to vector<1x16xf32>
      tpu.vector_store %arg8[%swap3A_137, %swap3A_138], %swap3A_141 {strides = array<i32>} : memref<128x128xf32, #tpu.memory_space<vmem>>, vector<1x16xf32>,
      %broadcast_in_dim3A_142 = arith.constant 0.000000e+00 : f32
      %broadcast_in_dim3A_143 = vector.broadcast %broadcast_in_dim3A_142 : f32 to vector<16xf32>
      %swap3A_144 = arith.index_cast %scan3A_101 : i32 to index
      %swap3A_145 = arith.constant 96 : index
      %swap3A_146 = tpu.vector_load %arg8[%swap3A_144, %swap3A_145] {strides = array<i32>} : memref<128x128xf32, #tpu.memory_space<vmem>>, vector<1x16xf32>,
      %swap3A_147 = vector.shape_cast %swap3A_146 : vector<1x16xf32> to vector<16xf32>
      %swap3A_148 = vector.shape_cast %broadcast_in_dim3A_143 : vector<16xf32> to vector<1x16xf32>
      tpu.vector_store %arg8[%swap3A_144, %swap3A_145], %swap3A_148 {strides = array<i32>} : memref<128x128xf32, #tpu.memory_space<vmem>>, vector<1x16xf32>,
      %broadcast_in_dim3A_149 = arith.constant 0.000000e+00 : f32
      %broadcast_in_dim3A_150 = vector.broadcast %broadcast_in_dim3A_149 : f32 to vector<16xf32>
      %swap3A_151 = arith.index_cast %scan3A_101 : i32 to index
      %swap3A_152 = arith.constant 112 : index
      %swap3A_153 = tpu.vector_load %arg8[%swap3A_151, %swap3A_152] {strides = array<i32>} : memref<128x128xf32, #tpu.memory_space<vmem>>, vector<1x16xf32>,
      %swap3A_154 = vector.shape_cast %swap3A_153 : vector<1x16xf32> to vector<16xf32>
      %swap3A_155 = vector.shape_cast %broadcast_in_dim3A_150 : vector<16xf32> to vector<1x16xf32>
      tpu.vector_store %arg8[%swap3A_151, %swap3A_152], %swap3A_155 {strides = array<i32>} : memref<128x128xf32, #tpu.memory_space<vmem>>, vector<1x16xf32>,
    }
    %scan3A_8 = arith.constant 128 : i32
    %add3A_9 = arith.constant 0 : i32
    %add3A_10 = arith.addi %min3A_3, %add3A_9 : i32
    "tpu.region"() ({
      %run_scoped3A = tpu.sem_alloc : memref<!tpu.dma_semaphore, #tpu.memory_space<semaphore_mem>>
      %dma_start3A_101 = arith.constant 0 : i32
      %dma_start3A_102 = tpu.memref_slice %arg11[%add3A_10, %dma_start3A_101] : memref<10000x128xf32, #tpu.memory_space<vmem_shared>> -> memref<128x128xf32, #tpu.memory_space<vmem_shared>>
      %dma_start3A_103 = arith.constant 0 : i32
      %dma_start3A_104 = tpu.memref_slice %arg11[%add3A_10, %dma_start3A_103] : memref<10000x128xf32, #tpu.memory_space<vmem_shared>> -> memref<128x128xf32, #tpu.memory_space<vmem_shared>>
      tpu.enqueue_dma source(%arg8 : memref<128x128xf32, #tpu.memory_space<vmem>>) target(%dma_start3A_104 : memref<128x128xf32, #tpu.memory_space<vmem_shared>>) target_semaphore(%run_scoped3A : memref<!tpu.dma_semaphore, #tpu.memory_space<semaphore_mem>>)
      %dma_wait3A_105 = arith.constant 0 : i32
      %dma_wait3A_106 = tpu.memref_slice %arg11[%add3A_10, %dma_wait3A_105] : memref<10000x128xf32, #tpu.memory_space<vmem_shared>> -> memref<128x128xf32, #tpu.memory_space<vmem_shared>>
      %dma_wait3A_107 = arith.constant 0 : i32
      %dma_wait3A_108 = tpu.memref_slice %arg11[%add3A_10, %dma_wait3A_107] : memref<10000x128xf32, #tpu.memory_space<vmem_shared>> -> memref<128x128xf32, #tpu.memory_space<vmem_shared>>
      tpu.wait_dma2 semaphore(%run_scoped3A : memref<!tpu.dma_semaphore, #tpu.memory_space<semaphore_mem>>) src(%arg8 : memref<128x128xf32, #tpu.memory_space<vmem>>) dst(%dma_wait3A_108 : memref<128x128xf32, #tpu.memory_space<vmem_shared>>)
      tpu.yield
    }) : () -> ()
    %add3A_11 = arith.constant 128 : i32
    %add3A_12 = arith.addi %min3A_3, %add3A_11 : i32
    "tpu.region"() ({
      %run_scoped3A = tpu.sem_alloc : memref<!tpu.dma_semaphore, #tpu.memory_space<semaphore_mem>>
      %dma_start3A_101 = arith.constant 0 : i32
      %dma_start3A_102 = tpu.memref_slice %arg11[%add3A_12, %dma_start3A_101] : memref<10000x128xf32, #tpu.memory_space<vmem_shared>> -> memref<128x128xf32, #tpu.memory_space<vmem_shared>>
      %dma_start3A_103 = arith.constant 0 : i32
      %dma_start3A_104 = tpu.memref_slice %arg11[%add3A_12, %dma_start3A_103] : memref<10000x128xf32, #tpu.memory_space<vmem_shared>> -> memref<128x128xf32, #tpu.memory_space<vmem_shared>>
      tpu.enqueue_dma source(%arg8 : memref<128x128xf32, #tpu.memory_space<vmem>>) target(%dma_start3A_104 : memref<128x128xf32, #tpu.memory_space<vmem_shared>>) target_semaphore(%run_scoped3A : memref<!tpu.dma_semaphore, #tpu.memory_space<semaphore_mem>>)
      %dma_wait3A_105 = arith.constant 0 : i32
      %dma_wait3A_106 = tpu.memref_slice %arg11[%add3A_12, %dma_wait3A_105] : memref<10000x128xf32, #tpu.memory_space<vmem_shared>> -> memref<128x128xf32, #tpu.memory_space<vmem_shared>>
      %dma_wait3A_107 = arith.constant 0 : i32
      %dma_wait3A_108 = tpu.memref_slice %arg11[%add3A_12, %dma_wait3A_107] : memref<10000x128xf32, #tpu.memory_space<vmem_shared>> -> memref<128x128xf32, #tpu.memory_space<vmem_shared>>
      tpu.wait_dma2 semaphore(%run_scoped3A : memref<!tpu.dma_semaphore, #tpu.memory_space<semaphore_mem>>) src(%arg8 : memref<128x128xf32, #tpu.memory_space<vmem>>) dst(%dma_wait3A_108 : memref<128x128xf32, #tpu.memory_space<vmem_shared>>)
      tpu.yield
    }) : () -> ()
    %add3A_13 = arith.constant 256 : i32
    %add3A_14 = arith.addi %min3A_3, %add3A_13 : i32
    "tpu.region"() ({
      %run_scoped3A = tpu.sem_alloc : memref<!tpu.dma_semaphore, #tpu.memory_space<semaphore_mem>>
      %dma_start3A_101 = arith.constant 0 : i32
      %dma_start3A_102 = tpu.memref_slice %arg11[%add3A_14, %dma_start3A_101] : memref<10000x128xf32, #tpu.memory_space<vmem_shared>> -> memref<128x128xf32, #tpu.memory_space<vmem_shared>>
      %dma_start3A_103 = arith.constant 0 : i32
      %dma_start3A_104 = tpu.memref_slice %arg11[%add3A_14, %dma_start3A_103] : memref<10000x128xf32, #tpu.memory_space<vmem_shared>> -> memref<128x128xf32, #tpu.memory_space<vmem_shared>>
      tpu.enqueue_dma source(%arg8 : memref<128x128xf32, #tpu.memory_space<vmem>>) target(%dma_start3A_104 : memref<128x128xf32, #tpu.memory_space<vmem_shared>>) target_semaphore(%run_scoped3A : memref<!tpu.dma_semaphore, #tpu.memory_space<semaphore_mem>>)
      %dma_wait3A_105 = arith.constant 0 : i32
      %dma_wait3A_106 = tpu.memref_slice %arg11[%add3A_14, %dma_wait3A_105] : memref<10000x128xf32, #tpu.memory_space<vmem_shared>> -> memref<128x128xf32, #tpu.memory_space<vmem_shared>>
      %dma_wait3A_107 = arith.constant 0 : i32
      %dma_wait3A_108 = tpu.memref_slice %arg11[%add3A_14, %dma_wait3A_107] : memref<10000x128xf32, #tpu.memory_space<vmem_shared>> -> memref<128x128xf32, #tpu.memory_space<vmem_shared>>
      tpu.wait_dma2 semaphore(%run_scoped3A : memref<!tpu.dma_semaphore, #tpu.memory_space<semaphore_mem>>) src(%arg8 : memref<128x128xf32, #tpu.memory_space<vmem>>) dst(%dma_wait3A_108 : memref<128x128xf32, #tpu.memory_space<vmem_shared>>)
      tpu.yield
    }) : () -> ()
    %add3A_15 = arith.constant 384 : i32
    %add3A_16 = arith.addi %min3A_3, %add3A_15 : i32
    "tpu.region"() ({
      %run_scoped3A = tpu.sem_alloc : memref<!tpu.dma_semaphore, #tpu.memory_space<semaphore_mem>>
      %dma_start3A_101 = arith.constant 0 : i32
      %dma_start3A_102 = tpu.memref_slice %arg11[%add3A_16, %dma_start3A_101] : memref<10000x128xf32, #tpu.memory_space<vmem_shared>> -> memref<128x128xf32, #tpu.memory_space<vmem_shared>>
      %dma_start3A_103 = arith.constant 0 : i32
      %dma_start3A_104 = tpu.memref_slice %arg11[%add3A_16, %dma_start3A_103] : memref<10000x128xf32, #tpu.memory_space<vmem_shared>> -> memref<128x128xf32, #tpu.memory_space<vmem_shared>>
      tpu.enqueue_dma source(%arg8 : memref<128x128xf32, #tpu.memory_space<vmem>>) target(%dma_start3A_104 : memref<128x128xf32, #tpu.memory_space<vmem_shared>>) target_semaphore(%run_scoped3A : memref<!tpu.dma_semaphore, #tpu.memory_space<semaphore_mem>>)
      %dma_wait3A_105 = arith.constant 0 : i32
      %dma_wait3A_106 = tpu.memref_slice %arg11[%add3A_16, %dma_wait3A_105] : memref<10000x128xf32, #tpu.memory_space<vmem_shared>> -> memref<128x128xf32, #tpu.memory_space<vmem_shared>>
      %dma_wait3A_107 = arith.constant 0 : i32
      %dma_wait3A_108 = tpu.memref_slice %arg11[%add3A_16, %dma_wait3A_107] : memref<10000x128xf32, #tpu.memory_space<vmem_shared>> -> memref<128x128xf32, #tpu.memory_space<vmem_shared>>
      tpu.wait_dma2 semaphore(%run_scoped3A : memref<!tpu.dma_semaphore, #tpu.memory_space<semaphore_mem>>) src(%arg8 : memref<128x128xf32, #tpu.memory_space<vmem>>) dst(%dma_wait3A_108 : memref<128x128xf32, #tpu.memory_space<vmem_shared>>)
      tpu.yield
    }) : () -> ()
    %add3A_17 = arith.constant 512 : i32
    %add3A_18 = arith.addi %min3A_3, %add3A_17 : i32
    "tpu.region"() ({
      %run_scoped3A = tpu.sem_alloc : memref<!tpu.dma_semaphore, #tpu.memory_space<semaphore_mem>>
      %dma_start3A_101 = arith.constant 0 : i32
      %dma_start3A_102 = arith.constant 0 : i32
      %dma_start3A_103 = tpu.memref_slice %arg8[%dma_start3A_101, %dma_start3A_102] : memref<128x128xf32, #tpu.memory_space<vmem>> -> memref<120x128xf32, #tpu.memory_space<vmem>>
      %dma_start3A_104 = arith.constant 0 : i32
      %dma_start3A_105 = tpu.memref_slice %arg11[%add3A_18, %dma_start3A_104] : memref<10000x128xf32, #tpu.memory_space<vmem_shared>> -> memref<120x128xf32, #tpu.memory_space<vmem_shared>>
      %dma_start3A_106 = arith.constant 0 : i32
      %dma_start3A_107 = tpu.memref_slice %arg11[%add3A_18, %dma_start3A_106] : memref<10000x128xf32, #tpu.memory_space<vmem_shared>> -> memref<120x128xf32, #tpu.memory_space<vmem_shared>>
      %dma_start3A_108 = arith.constant 0 : i32
      %dma_start3A_109 = arith.constant 0 : i32
      %dma_start3A_110 = tpu.memref_slice %arg8[%dma_start3A_108, %dma_start3A_109] : memref<128x128xf32, #tpu.memory_space<vmem>> -> memref<120x128xf32, #tpu.memory_space<vmem>>
      tpu.enqueue_dma source(%dma_start3A_110 : memref<120x128xf32, #tpu.memory_space<vmem>>) target(%dma_start3A_107 : memref<120x128xf32, #tpu.memory_space<vmem_shared>>) target_semaphore(%run_scoped3A : memref<!tpu.dma_semaphore, #tpu.memory_space<semaphore_mem>>)
      %dma_wait3A_111 = arith.constant 0 : i32
      %dma_wait3A_112 = arith.constant 0 : i32
      %dma_wait3A_113 = tpu.memref_slice %arg8[%dma_wait3A_111, %dma_wait3A_112] : memref<128x128xf32, #tpu.memory_space<vmem>> -> memref<120x128xf32, #tpu.memory_space<vmem>>
      %dma_wait3A_114 = arith.constant 0 : i32
      %dma_wait3A_115 = tpu.memref_slice %arg11[%add3A_18, %dma_wait3A_114] : memref<10000x128xf32, #tpu.memory_space<vmem_shared>> -> memref<120x128xf32, #tpu.memory_space<vmem_shared>>
      %dma_wait3A_116 = arith.constant 0 : i32
      %dma_wait3A_117 = tpu.memref_slice %arg11[%add3A_18, %dma_wait3A_116] : memref<10000x128xf32, #tpu.memory_space<vmem_shared>> -> memref<120x128xf32, #tpu.memory_space<vmem_shared>>
      %dma_wait3A_118 = arith.constant 0 : i32
      %dma_wait3A_119 = arith.constant 0 : i32
      %dma_wait3A_120 = tpu.memref_slice %arg8[%dma_wait3A_118, %dma_wait3A_119] : memref<128x128xf32, #tpu.memory_space<vmem>> -> memref<120x128xf32, #tpu.memory_space<vmem>>
      tpu.wait_dma2 semaphore(%run_scoped3A : memref<!tpu.dma_semaphore, #tpu.memory_space<semaphore_mem>>) src(%dma_wait3A_120 : memref<120x128xf32, #tpu.memory_space<vmem>>) dst(%dma_wait3A_117 : memref<120x128xf32, #tpu.memory_space<vmem_shared>>)
      tpu.yield
    }) : () -> ()
    %barrier3A = arith.constant 0 : index
    tpu.barrier barrier_id(%barrier3A)
    %mul3A_19 = arith.constant 79 : i32
    %mul3A_20 = arith.muli %add3A, %mul3A_19 : i32
    "tpu.region"() ({
      %run_scoped3A = tpu.sem_alloc : memref<!tpu.dma_semaphore, #tpu.memory_space<semaphore_mem>>
      %dma_start3A_101 = arith.constant 0 : i32
      %dma_start3A_102 = arith.constant 0 : i32
      %dma_start3A_103 = arith.constant 0 : i32
      %dma_start3A_104 = tpu.memref_slice %arg7[%dma_start3A_101, %dma_start3A_102, %dma_start3A_103] : memref<2x2x128xi32, #tpu.memory_space<vmem>> -> memref<1x2x128xi32, #tpu.memory_space<vmem>>
      %dma_start3A_105 = arith.constant 0 : i32
      %dma_start3A_106 = arith.constant 0 : i32
      %dma_start3A_107 = tpu.memref_slice %arg5[%mul3A_20, %dma_start3A_105, %dma_start3A_106] : memref<2528x2x128xi32, #tpu.memory_space<hbm>> -> memref<1x2x128xi32, #tpu.memory_space<hbm>>
      %dma_start3A_108 = arith.constant 0 : i32
      %dma_start3A_109 = arith.constant 0 : i32
      %dma_start3A_110 = arith.constant 0 : i32
      %dma_start3A_111 = tpu.memref_slice %arg7[%dma_start3A_108, %dma_start3A_109, %dma_start3A_110] : memref<2x2x128xi32, #tpu.memory_space<vmem>> -> memref<1x2x128xi32, #tpu.memory_space<vmem>>
      %dma_start3A_112 = arith.constant 0 : i32
      %dma_start3A_113 = arith.constant 0 : i32
      %dma_start3A_114 = tpu.memref_slice %arg5[%mul3A_20, %dma_start3A_112, %dma_start3A_113] : memref<2528x2x128xi32, #tpu.memory_space<hbm>> -> memref<1x2x128xi32, #tpu.memory_space<hbm>>
      tpu.enqueue_dma source(%dma_start3A_114 : memref<1x2x128xi32, #tpu.memory_space<hbm>>) target(%dma_start3A_111 : memref<1x2x128xi32, #tpu.memory_space<vmem>>) target_semaphore(%run_scoped3A : memref<!tpu.dma_semaphore, #tpu.memory_space<semaphore_mem>>)
      %dma_wait3A_115 = arith.constant 0 : i32
      %dma_wait3A_116 = arith.constant 0 : i32
      %dma_wait3A_117 = arith.constant 0 : i32
      %dma_wait3A_118 = tpu.memref_slice %arg7[%dma_wait3A_115, %dma_wait3A_116, %dma_wait3A_117] : memref<2x2x128xi32, #tpu.memory_space<vmem>> -> memref<1x2x128xi32, #tpu.memory_space<vmem>>
      %dma_wait3A_119 = arith.constant 0 : i32
      %dma_wait3A_120 = arith.constant 0 : i32
      %dma_wait3A_121 = tpu.memref_slice %arg5[%mul3A_20, %dma_wait3A_119, %dma_wait3A_120] : memref<2528x2x128xi32, #tpu.memory_space<hbm>> -> memref<1x2x128xi32, #tpu.memory_space<hbm>>
      %dma_wait3A_122 = arith.constant 0 : i32
      %dma_wait3A_123 = arith.constant 0 : i32
      %dma_wait3A_124 = arith.constant 0 : i32
      %dma_wait3A_125 = tpu.memref_slice %arg7[%dma_wait3A_122, %dma_wait3A_123, %dma_wait3A_124] : memref<2x2x128xi32, #tpu.memory_space<vmem>> -> memref<1x2x128xi32, #tpu.memory_space<vmem>>
      %dma_wait3A_126 = arith.constant 0 : i32
      %dma_wait3A_127 = arith.constant 0 : i32
      %dma_wait3A_128 = tpu.memref_slice %arg5[%mul3A_20, %dma_wait3A_126, %dma_wait3A_127] : memref<2528x2x128xi32, #tpu.memory_space<hbm>> -> memref<1x2x128xi32, #tpu.memory_space<hbm>>
      tpu.wait_dma2 semaphore(%run_scoped3A : memref<!tpu.dma_semaphore, #tpu.memory_space<semaphore_mem>>) src(%dma_wait3A_128 : memref<1x2x128xi32, #tpu.memory_space<hbm>>) dst(%dma_wait3A_125 : memref<1x2x128xi32, #tpu.memory_space<vmem>>)
      tpu.yield
    }) : () -> ()
    %add3A_21 = arith.constant 1 : i32
    %add3A_22 = arith.addi %mul3A_20, %add3A_21 : i32
    %dma_start3A = arith.constant 1 : i32
    %dma_start3A_23 = arith.constant 0 : i32
    %dma_start3A_24 = arith.constant 0 : i32
    %dma_start3A_25 = tpu.memref_slice %arg7[%dma_start3A, %dma_start3A_23, %dma_start3A_24] : memref<2x2x128xi32, #tpu.memory_space<vmem>> -> memref<1x2x128xi32, #tpu.memory_space<vmem>>
    %dma_start3A_26 = arith.constant 0 : i32
    %dma_start3A_27 = arith.constant 0 : i32
    %dma_start3A_28 = tpu.memref_slice %arg5[%add3A_22, %dma_start3A_26, %dma_start3A_27] : memref<2528x2x128xi32, #tpu.memory_space<hbm>> -> memref<1x2x128xi32, #tpu.memory_space<hbm>>
    %dma_start3A_29 = arith.constant 1 : i32
    %dma_start3A_30 = arith.constant 0 : i32
    %dma_start3A_31 = arith.constant 0 : i32
    %dma_start3A_32 = tpu.memref_slice %arg7[%dma_start3A_29, %dma_start3A_30, %dma_start3A_31] : memref<2x2x128xi32, #tpu.memory_space<vmem>> -> memref<1x2x128xi32, #tpu.memory_space<vmem>>
    %dma_start3A_33 = arith.constant 0 : i32
    %dma_start3A_34 = arith.constant 0 : i32
    %dma_start3A_35 = tpu.memref_slice %arg5[%add3A_22, %dma_start3A_33, %dma_start3A_34] : memref<2528x2x128xi32, #tpu.memory_space<hbm>> -> memref<1x2x128xi32, #tpu.memory_space<hbm>>
    tpu.enqueue_dma source(%dma_start3A_35 : memref<1x2x128xi32, #tpu.memory_space<hbm>>) target(%dma_start3A_32 : memref<1x2x128xi32, #tpu.memory_space<vmem>>) target_semaphore(%arg15 : memref<!tpu.dma_semaphore, #tpu.memory_space<semaphore_mem>>)
    %dma_start3A_36 = arith.constant 0 : i32
    %dma_start3A_37 = arith.constant 0 : i32
    %dma_start3A_38 = arith.constant 0 : i32
    %dma_start3A_39 = tpu.memref_slice %arg7[%dma_start3A_36, %dma_start3A_37, %dma_start3A_38] : memref<2x2x128xi32, #tpu.memory_space<vmem>> -> memref<1x1x128xi32, #tpu.memory_space<vmem>>
    %dma_start3A_40 = tpu.memref_squeeze %dma_start3A_39 : memref<1x1x128xi32, #tpu.memory_space<vmem>> -> memref<128xi32, #tpu.memory_space<vmem>>
    %dma_start3A_41 = arith.constant 0 : i32
    %dma_start3A_42 = arith.constant 0 : i32
    %dma_start3A_43 = tpu.memref_slice %arg2[%dma_start3A_41, %dma_start3A_42] : memref<10000x128xf32, #tpu.memory_space<hbm>> -> memref<10000x128xf32, #tpu.memory_space<hbm>>
    tpu.enqueue_indirect_dma source(%dma_start3A_43 : memref<10000x128xf32, #tpu.memory_space<hbm>>) target(%arg8 : memref<128x128xf32, #tpu.memory_space<vmem>>) offsets(%dma_start3A_40 : memref<128xi32, #tpu.memory_space<vmem>>) semaphore(%arg12 : memref<!tpu.dma_semaphore, #tpu.memory_space<semaphore_mem>>)
    %dma_start3A_44 = arith.constant 0 : i32
    %dma_start3A_45 = arith.constant 1 : i32
    %dma_start3A_46 = arith.constant 0 : i32
    %dma_start3A_47 = tpu.memref_slice %arg7[%dma_start3A_44, %dma_start3A_45, %dma_start3A_46] : memref<2x2x128xi32, #tpu.memory_space<vmem>> -> memref<1x1x128xi32, #tpu.memory_space<vmem>>
    %dma_start3A_48 = tpu.memref_squeeze %dma_start3A_47 : memref<1x1x128xi32, #tpu.memory_space<vmem>> -> memref<128xi32, #tpu.memory_space<vmem>>
    %dma_start3A_49 = arith.constant 0 : i32
    %dma_start3A_50 = arith.constant 0 : i32
    %dma_start3A_51 = tpu.memref_slice %arg3[%dma_start3A_49, %dma_start3A_50] : memref<10000x128xf32, #tpu.memory_space<hbm>> -> memref<10000x128xf32, #tpu.memory_space<hbm>>
    tpu.enqueue_indirect_dma source(%dma_start3A_51 : memref<10000x128xf32, #tpu.memory_space<hbm>>) target(%arg9 : memref<128x128xf32, #tpu.memory_space<vmem>>) offsets(%dma_start3A_48 : memref<128xi32, #tpu.memory_space<vmem>>) semaphore(%arg13 : memref<!tpu.dma_semaphore, #tpu.memory_space<semaphore_mem>>)
    %mul3A_52 = arith.constant 128 : i32
    %mul3A_53 = arith.muli %mul3A_20, %mul3A_52 : i32
    %dma_start3A_54 = arith.constant 0 : i32
    %dma_start3A_55 = tpu.memref_slice %arg4[%mul3A_53, %dma_start3A_54] : memref<323584x128xf32, #tpu.memory_space<hbm>> -> memref<128x128xf32, #tpu.memory_space<hbm>>
    %dma_start3A_56 = arith.constant 0 : i32
    %dma_start3A_57 = tpu.memref_slice %arg4[%mul3A_53, %dma_start3A_56] : memref<323584x128xf32, #tpu.memory_space<hbm>> -> memref<128x128xf32, #tpu.memory_space<hbm>>
    tpu.enqueue_dma source(%dma_start3A_57 : memref<128x128xf32, #tpu.memory_space<hbm>>) target(%arg10 : memref<128x128xf32, #tpu.memory_space<vmem>>) target_semaphore(%arg14 : memref<!tpu.dma_semaphore, #tpu.memory_space<semaphore_mem>>)
    %scan3A_58 = arith.constant 0 : i32
    %scan3A_59 = arith.constant 0 : i32
    %scan3A_60 = arith.constant 79 : i32
    %scan3A_61 = arith.addi %scan3A_59, %scan3A_60 : i32
    %scan3A_62 = arith.constant 1 : i32
    scf.for %scan3A_101 = %scan3A_59 to %scan3A_61 step %scan3A_62  : i32 {
      %rem3A = arith.constant 2 : i32
      %rem3A_102 = arith.remsi %scan3A_101, %rem3A : i32
      %add3A_103 = arith.constant 1 : i32
      %add3A_104 = arith.addi %scan3A_101, %add3A_103 : i32
      %rem3A_105 = arith.constant 2 : i32
      %rem3A_106 = arith.remsi %add3A_104, %rem3A_105 : i32
      %dma_wait3A_107 = arith.constant 0 : i32
      %dma_wait3A_108 = arith.constant 0 : i32
      %dma_wait3A_109 = tpu.memref_slice %arg4[%dma_wait3A_107, %dma_wait3A_108] : memref<323584x128xf32, #tpu.memory_space<hbm>> -> memref<128x128xf32, #tpu.memory_space<hbm>>
      %dma_wait3A_110 = arith.constant 0 : i32
      %dma_wait3A_111 = arith.constant 0 : i32
      %dma_wait3A_112 = tpu.memref_slice %arg4[%dma_wait3A_110, %dma_wait3A_111] : memref<323584x128xf32, #tpu.memory_space<hbm>> -> memref<128x128xf32, #tpu.memory_space<hbm>>
      tpu.wait_dma2 semaphore(%arg12 : memref<!tpu.dma_semaphore, #tpu.memory_space<semaphore_mem>>) src(%dma_wait3A_112 : memref<128x128xf32, #tpu.memory_space<hbm>>) dst(%arg8 : memref<128x128xf32, #tpu.memory_space<vmem>>)
      %dma_wait3A_113 = arith.constant 0 : i32
      %dma_wait3A_114 = arith.constant 0 : i32
      %dma_wait3A_115 = tpu.memref_slice %arg4[%dma_wait3A_113, %dma_wait3A_114] : memref<323584x128xf32, #tpu.memory_space<hbm>> -> memref<128x128xf32, #tpu.memory_space<hbm>>
      %dma_wait3A_116 = arith.constant 0 : i32
      %dma_wait3A_117 = arith.constant 0 : i32
      %dma_wait3A_118 = tpu.memref_slice %arg4[%dma_wait3A_116, %dma_wait3A_117] : memref<323584x128xf32, #tpu.memory_space<hbm>> -> memref<128x128xf32, #tpu.memory_space<hbm>>
      tpu.wait_dma2 semaphore(%arg13 : memref<!tpu.dma_semaphore, #tpu.memory_space<semaphore_mem>>) src(%dma_wait3A_118 : memref<128x128xf32, #tpu.memory_space<hbm>>) dst(%arg9 : memref<128x128xf32, #tpu.memory_space<vmem>>)
      %dma_wait3A_119 = arith.constant 0 : i32
      %dma_wait3A_120 = arith.constant 0 : i32
      %dma_wait3A_121 = tpu.memref_slice %arg4[%dma_wait3A_119, %dma_wait3A_120] : memref<323584x128xf32, #tpu.memory_space<hbm>> -> memref<128x128xf32, #tpu.memory_space<hbm>>
      %dma_wait3A_122 = arith.constant 0 : i32
      %dma_wait3A_123 = arith.constant 0 : i32
      %dma_wait3A_124 = tpu.memref_slice %arg4[%dma_wait3A_122, %dma_wait3A_123] : memref<323584x128xf32, #tpu.memory_space<hbm>> -> memref<128x128xf32, #tpu.memory_space<hbm>>
      tpu.wait_dma2 semaphore(%arg14 : memref<!tpu.dma_semaphore, #tpu.memory_space<semaphore_mem>>) src(%dma_wait3A_124 : memref<128x128xf32, #tpu.memory_space<hbm>>) dst(%arg10 : memref<128x128xf32, #tpu.memory_space<vmem>>)
      %dma_wait3A_125 = arith.constant 0 : i32
      %dma_wait3A_126 = arith.constant 0 : i32
      %dma_wait3A_127 = tpu.memref_slice %arg7[%rem3A_106, %dma_wait3A_125, %dma_wait3A_126] : memref<2x2x128xi32, #tpu.memory_space<vmem>> -> memref<1x2x128xi32, #tpu.memory_space<vmem>>
      %dma_wait3A_128 = arith.constant 0 : i32
      %dma_wait3A_129 = arith.constant 0 : i32
      %dma_wait3A_130 = arith.constant 0 : i32
      %dma_wait3A_131 = tpu.memref_slice %arg5[%dma_wait3A_128, %dma_wait3A_129, %dma_wait3A_130] : memref<2528x2x128xi32, #tpu.memory_space<hbm>> -> memref<1x2x128xi32, #tpu.memory_space<hbm>>
      %dma_wait3A_132 = arith.constant 0 : i32
      %dma_wait3A_133 = arith.constant 0 : i32
      %dma_wait3A_134 = tpu.memref_slice %arg7[%rem3A_106, %dma_wait3A_132, %dma_wait3A_133] : memref<2x2x128xi32, #tpu.memory_space<vmem>> -> memref<1x2x128xi32, #tpu.memory_space<vmem>>
      %dma_wait3A_135 = arith.constant 0 : i32
      %dma_wait3A_136 = arith.constant 0 : i32
      %dma_wait3A_137 = arith.constant 0 : i32
      %dma_wait3A_138 = tpu.memref_slice %arg5[%dma_wait3A_135, %dma_wait3A_136, %dma_wait3A_137] : memref<2528x2x128xi32, #tpu.memory_space<hbm>> -> memref<1x2x128xi32, #tpu.memory_space<hbm>>
      tpu.wait_dma2 semaphore(%arg15 : memref<!tpu.dma_semaphore, #tpu.memory_space<semaphore_mem>>) src(%dma_wait3A_138 : memref<1x2x128xi32, #tpu.memory_space<hbm>>) dst(%dma_wait3A_134 : memref<1x2x128xi32, #tpu.memory_space<vmem>>)
      %scan3A_139 = arith.constant 0 : i32
      %scan3A_140 = arith.constant 0 : i32
      %scan3A_141 = arith.constant 128 : i32
      %scan3A_142 = arith.addi %scan3A_140, %scan3A_141 : i32
      %scan3A_143 = arith.constant 1 : i32
      scf.for %scan3A_187 = %scan3A_140 to %scan3A_142 step %scan3A_143  : i32 {
        %get3A = arith.index_cast %scan3A_187 : i32 to index
        %get3A_188 = arith.constant 0 : index
        %get3A_189 = tpu.vector_load %arg8[%get3A, %get3A_188] {strides = array<i32>} : memref<128x128xf32, #tpu.memory_space<vmem>>, vector<1x16xf32>,
        %get3A_190 = vector.shape_cast %get3A_189 : vector<1x16xf32> to vector<16xf32>
        %get3A_191 = arith.index_cast %scan3A_187 : i32 to index
        %get3A_192 = arith.constant 0 : index
        %get3A_193 = tpu.vector_load %arg9[%get3A_191, %get3A_192] {strides = array<i32>} : memref<128x128xf32, #tpu.memory_space<vmem>>, vector<1x16xf32>,
        %get3A_194 = vector.shape_cast %get3A_193 : vector<1x16xf32> to vector<16xf32>
        %add3A_195 = arith.addf %get3A_190, %get3A_194 : vector<16xf32>
        %get3A_196 = arith.index_cast %scan3A_187 : i32 to index
        %get3A_197 = arith.constant 0 : index
        %get3A_198 = tpu.vector_load %arg10[%get3A_196, %get3A_197] {strides = array<i32>} : memref<128x128xf32, #tpu.memory_space<vmem>>, vector<1x16xf32>,
        %get3A_199 = vector.shape_cast %get3A_198 : vector<1x16xf32> to vector<16xf32>
        %add3A_200 = arith.addf %add3A_195, %get3A_199 : vector<16xf32>
        %max3A = arith.constant 0.000000e+00 : f32
        %max3A_201 = vector.broadcast %max3A : f32 to vector<16xf32>
        %max3A_202 = arith.maximumf %add3A_200, %max3A_201 : vector<16xf32>
        %swap3A = arith.index_cast %scan3A_187 : i32 to index
        %swap3A_203 = arith.constant 0 : index
        %swap3A_204 = tpu.vector_load %arg10[%swap3A, %swap3A_203] {strides = array<i32>} : memref<128x128xf32, #tpu.memory_space<vmem>>, vector<1x16xf32>,
        %swap3A_205 = vector.shape_cast %swap3A_204 : vector<1x16xf32> to vector<16xf32>
        %swap3A_206 = vector.shape_cast %max3A_202 : vector<16xf32> to vector<1x16xf32>
        tpu.vector_store %arg10[%swap3A, %swap3A_203], %swap3A_206 {strides = array<i32>} : memref<128x128xf32, #tpu.memory_space<vmem>>, vector<1x16xf32>,
        %get3A_207 = arith.index_cast %scan3A_187 : i32 to index
        %get3A_208 = arith.constant 16 : index
        %get3A_209 = tpu.vector_load %arg8[%get3A_207, %get3A_208] {strides = array<i32>} : memref<128x128xf32, #tpu.memory_space<vmem>>, vector<1x16xf32>,
        %get3A_210 = vector.shape_cast %get3A_209 : vector<1x16xf32> to vector<16xf32>
        %get3A_211 = arith.index_cast %scan3A_187 : i32 to index
        %get3A_212 = arith.constant 16 : index
        %get3A_213 = tpu.vector_load %arg9[%get3A_211, %get3A_212] {strides = array<i32>} : memref<128x128xf32, #tpu.memory_space<vmem>>, vector<1x16xf32>,
        %get3A_214 = vector.shape_cast %get3A_213 : vector<1x16xf32> to vector<16xf32>
        %add3A_215 = arith.addf %get3A_210, %get3A_214 : vector<16xf32>
        %get3A_216 = arith.index_cast %scan3A_187 : i32 to index
        %get3A_217 = arith.constant 16 : index
        %get3A_218 = tpu.vector_load %arg10[%get3A_216, %get3A_217] {strides = array<i32>} : memref<128x128xf32, #tpu.memory_space<vmem>>, vector<1x16xf32>,
        %get3A_219 = vector.shape_cast %get3A_218 : vector<1x16xf32> to vector<16xf32>
        %add3A_220 = arith.addf %add3A_215, %get3A_219 : vector<16xf32>
        %max3A_221 = arith.constant 0.000000e+00 : f32
        %max3A_222 = vector.broadcast %max3A_221 : f32 to vector<16xf32>
        %max3A_223 = arith.maximumf %add3A_220, %max3A_222 : vector<16xf32>
        %swap3A_224 = arith.index_cast %scan3A_187 : i32 to index
        %swap3A_225 = arith.constant 16 : index
        %swap3A_226 = tpu.vector_load %arg10[%swap3A_224, %swap3A_225] {strides = array<i32>} : memref<128x128xf32, #tpu.memory_space<vmem>>, vector<1x16xf32>,
        %swap3A_227 = vector.shape_cast %swap3A_226 : vector<1x16xf32> to vector<16xf32>
        %swap3A_228 = vector.shape_cast %max3A_223 : vector<16xf32> to vector<1x16xf32>
        tpu.vector_store %arg10[%swap3A_224, %swap3A_225], %swap3A_228 {strides = array<i32>} : memref<128x128xf32, #tpu.memory_space<vmem>>, vector<1x16xf32>,
        %get3A_229 = arith.index_cast %scan3A_187 : i32 to index
        %get3A_230 = arith.constant 32 : index
        %get3A_231 = tpu.vector_load %arg8[%get3A_229, %get3A_230] {strides = array<i32>} : memref<128x128xf32, #tpu.memory_space<vmem>>, vector<1x16xf32>,
        %get3A_232 = vector.shape_cast %get3A_231 : vector<1x16xf32> to vector<16xf32>
        %get3A_233 = arith.index_cast %scan3A_187 : i32 to index
        %get3A_234 = arith.constant 32 : index
        %get3A_235 = tpu.vector_load %arg9[%get3A_233, %get3A_234] {strides = array<i32>} : memref<128x128xf32, #tpu.memory_space<vmem>>, vector<1x16xf32>,
        %get3A_236 = vector.shape_cast %get3A_235 : vector<1x16xf32> to vector<16xf32>
        %add3A_237 = arith.addf %get3A_232, %get3A_236 : vector<16xf32>
        %get3A_238 = arith.index_cast %scan3A_187 : i32 to index
        %get3A_239 = arith.constant 32 : index
        %get3A_240 = tpu.vector_load %arg10[%get3A_238, %get3A_239] {strides = array<i32>} : memref<128x128xf32, #tpu.memory_space<vmem>>, vector<1x16xf32>,
        %get3A_241 = vector.shape_cast %get3A_240 : vector<1x16xf32> to vector<16xf32>
        %add3A_242 = arith.addf %add3A_237, %get3A_241 : vector<16xf32>
        %max3A_243 = arith.constant 0.000000e+00 : f32
        %max3A_244 = vector.broadcast %max3A_243 : f32 to vector<16xf32>
        %max3A_245 = arith.maximumf %add3A_242, %max3A_244 : vector<16xf32>
        %swap3A_246 = arith.index_cast %scan3A_187 : i32 to index
        %swap3A_247 = arith.constant 32 : index
        %swap3A_248 = tpu.vector_load %arg10[%swap3A_246, %swap3A_247] {strides = array<i32>} : memref<128x128xf32, #tpu.memory_space<vmem>>, vector<1x16xf32>,
        %swap3A_249 = vector.shape_cast %swap3A_248 : vector<1x16xf32> to vector<16xf32>
        %swap3A_250 = vector.shape_cast %max3A_245 : vector<16xf32> to vector<1x16xf32>
        tpu.vector_store %arg10[%swap3A_246, %swap3A_247], %swap3A_250 {strides = array<i32>} : memref<128x128xf32, #tpu.memory_space<vmem>>, vector<1x16xf32>,
        %get3A_251 = arith.index_cast %scan3A_187 : i32 to index
        %get3A_252 = arith.constant 48 : index
        %get3A_253 = tpu.vector_load %arg8[%get3A_251, %get3A_252] {strides = array<i32>} : memref<128x128xf32, #tpu.memory_space<vmem>>, vector<1x16xf32>,
        %get3A_254 = vector.shape_cast %get3A_253 : vector<1x16xf32> to vector<16xf32>
        %get3A_255 = arith.index_cast %scan3A_187 : i32 to index
        %get3A_256 = arith.constant 48 : index
        %get3A_257 = tpu.vector_load %arg9[%get3A_255, %get3A_256] {strides = array<i32>} : memref<128x128xf32, #tpu.memory_space<vmem>>, vector<1x16xf32>,
        %get3A_258 = vector.shape_cast %get3A_257 : vector<1x16xf32> to vector<16xf32>
        %add3A_259 = arith.addf %get3A_254, %get3A_258 : vector<16xf32>
        %get3A_260 = arith.index_cast %scan3A_187 : i32 to index
        %get3A_261 = arith.constant 48 : index
        %get3A_262 = tpu.vector_load %arg10[%get3A_260, %get3A_261] {strides = array<i32>} : memref<128x128xf32, #tpu.memory_space<vmem>>, vector<1x16xf32>,
        %get3A_263 = vector.shape_cast %get3A_262 : vector<1x16xf32> to vector<16xf32>
        %add3A_264 = arith.addf %add3A_259, %get3A_263 : vector<16xf32>
        %max3A_265 = arith.constant 0.000000e+00 : f32
        %max3A_266 = vector.broadcast %max3A_265 : f32 to vector<16xf32>
        %max3A_267 = arith.maximumf %add3A_264, %max3A_266 : vector<16xf32>
        %swap3A_268 = arith.index_cast %scan3A_187 : i32 to index
        %swap3A_269 = arith.constant 48 : index
        %swap3A_270 = tpu.vector_load %arg10[%swap3A_268, %swap3A_269] {strides = array<i32>} : memref<128x128xf32, #tpu.memory_space<vmem>>, vector<1x16xf32>,
        %swap3A_271 = vector.shape_cast %swap3A_270 : vector<1x16xf32> to vector<16xf32>
        %swap3A_272 = vector.shape_cast %max3A_267 : vector<16xf32> to vector<1x16xf32>
        tpu.vector_store %arg10[%swap3A_268, %swap3A_269], %swap3A_272 {strides = array<i32>} : memref<128x128xf32, #tpu.memory_space<vmem>>, vector<1x16xf32>,
        %get3A_273 = arith.index_cast %scan3A_187 : i32 to index
        %get3A_274 = arith.constant 64 : index
        %get3A_275 = tpu.vector_load %arg8[%get3A_273, %get3A_274] {strides = array<i32>} : memref<128x128xf32, #tpu.memory_space<vmem>>, vector<1x16xf32>,
        %get3A_276 = vector.shape_cast %get3A_275 : vector<1x16xf32> to vector<16xf32>
        %get3A_277 = arith.index_cast %scan3A_187 : i32 to index
        %get3A_278 = arith.constant 64 : index
        %get3A_279 = tpu.vector_load %arg9[%get3A_277, %get3A_278] {strides = array<i32>} : memref<128x128xf32, #tpu.memory_space<vmem>>, vector<1x16xf32>,
        %get3A_280 = vector.shape_cast %get3A_279 : vector<1x16xf32> to vector<16xf32>
        %add3A_281 = arith.addf %get3A_276, %get3A_280 : vector<16xf32>
        %get3A_282 = arith.index_cast %scan3A_187 : i32 to index
        %get3A_283 = arith.constant 64 : index
        %get3A_284 = tpu.vector_load %arg10[%get3A_282, %get3A_283] {strides = array<i32>} : memref<128x128xf32, #tpu.memory_space<vmem>>, vector<1x16xf32>,
        %get3A_285 = vector.shape_cast %get3A_284 : vector<1x16xf32> to vector<16xf32>
        %add3A_286 = arith.addf %add3A_281, %get3A_285 : vector<16xf32>
        %max3A_287 = arith.constant 0.000000e+00 : f32
        %max3A_288 = vector.broadcast %max3A_287 : f32 to vector<16xf32>
        %max3A_289 = arith.maximumf %add3A_286, %max3A_288 : vector<16xf32>
        %swap3A_290 = arith.index_cast %scan3A_187 : i32 to index
        %swap3A_291 = arith.constant 64 : index
        %swap3A_292 = tpu.vector_load %arg10[%swap3A_290, %swap3A_291] {strides = array<i32>} : memref<128x128xf32, #tpu.memory_space<vmem>>, vector<1x16xf32>,
        %swap3A_293 = vector.shape_cast %swap3A_292 : vector<1x16xf32> to vector<16xf32>
        %swap3A_294 = vector.shape_cast %max3A_289 : vector<16xf32> to vector<1x16xf32>
        tpu.vector_store %arg10[%swap3A_290, %swap3A_291], %swap3A_294 {strides = array<i32>} : memref<128x128xf32, #tpu.memory_space<vmem>>, vector<1x16xf32>,
        %get3A_295 = arith.index_cast %scan3A_187 : i32 to index
        %get3A_296 = arith.constant 80 : index
        %get3A_297 = tpu.vector_load %arg8[%get3A_295, %get3A_296] {strides = array<i32>} : memref<128x128xf32, #tpu.memory_space<vmem>>, vector<1x16xf32>,
        %get3A_298 = vector.shape_cast %get3A_297 : vector<1x16xf32> to vector<16xf32>
        %get3A_299 = arith.index_cast %scan3A_187 : i32 to index
        %get3A_300 = arith.constant 80 : index
        %get3A_301 = tpu.vector_load %arg9[%get3A_299, %get3A_300] {strides = array<i32>} : memref<128x128xf32, #tpu.memory_space<vmem>>, vector<1x16xf32>,
        %get3A_302 = vector.shape_cast %get3A_301 : vector<1x16xf32> to vector<16xf32>
        %add3A_303 = arith.addf %get3A_298, %get3A_302 : vector<16xf32>
        %get3A_304 = arith.index_cast %scan3A_187 : i32 to index
        %get3A_305 = arith.constant 80 : index
        %get3A_306 = tpu.vector_load %arg10[%get3A_304, %get3A_305] {strides = array<i32>} : memref<128x128xf32, #tpu.memory_space<vmem>>, vector<1x16xf32>,
        %get3A_307 = vector.shape_cast %get3A_306 : vector<1x16xf32> to vector<16xf32>
        %add3A_308 = arith.addf %add3A_303, %get3A_307 : vector<16xf32>
        %max3A_309 = arith.constant 0.000000e+00 : f32
        %max3A_310 = vector.broadcast %max3A_309 : f32 to vector<16xf32>
        %max3A_311 = arith.maximumf %add3A_308, %max3A_310 : vector<16xf32>
        %swap3A_312 = arith.index_cast %scan3A_187 : i32 to index
        %swap3A_313 = arith.constant 80 : index
        %swap3A_314 = tpu.vector_load %arg10[%swap3A_312, %swap3A_313] {strides = array<i32>} : memref<128x128xf32, #tpu.memory_space<vmem>>, vector<1x16xf32>,
        %swap3A_315 = vector.shape_cast %swap3A_314 : vector<1x16xf32> to vector<16xf32>
        %swap3A_316 = vector.shape_cast %max3A_311 : vector<16xf32> to vector<1x16xf32>
        tpu.vector_store %arg10[%swap3A_312, %swap3A_313], %swap3A_316 {strides = array<i32>} : memref<128x128xf32, #tpu.memory_space<vmem>>, vector<1x16xf32>,
        %get3A_317 = arith.index_cast %scan3A_187 : i32 to index
        %get3A_318 = arith.constant 96 : index
        %get3A_319 = tpu.vector_load %arg8[%get3A_317, %get3A_318] {strides = array<i32>} : memref<128x128xf32, #tpu.memory_space<vmem>>, vector<1x16xf32>,
        %get3A_320 = vector.shape_cast %get3A_319 : vector<1x16xf32> to vector<16xf32>
        %get3A_321 = arith.index_cast %scan3A_187 : i32 to index
        %get3A_322 = arith.constant 96 : index
        %get3A_323 = tpu.vector_load %arg9[%get3A_321, %get3A_322] {strides = array<i32>} : memref<128x128xf32, #tpu.memory_space<vmem>>, vector<1x16xf32>,
        %get3A_324 = vector.shape_cast %get3A_323 : vector<1x16xf32> to vector<16xf32>
        %add3A_325 = arith.addf %get3A_320, %get3A_324 : vector<16xf32>
        %get3A_326 = arith.index_cast %scan3A_187 : i32 to index
        %get3A_327 = arith.constant 96 : index
        %get3A_328 = tpu.vector_load %arg10[%get3A_326, %get3A_327] {strides = array<i32>} : memref<128x128xf32, #tpu.memory_space<vmem>>, vector<1x16xf32>,
        %get3A_329 = vector.shape_cast %get3A_328 : vector<1x16xf32> to vector<16xf32>
        %add3A_330 = arith.addf %add3A_325, %get3A_329 : vector<16xf32>
        %max3A_331 = arith.constant 0.000000e+00 : f32
        %max3A_332 = vector.broadcast %max3A_331 : f32 to vector<16xf32>
        %max3A_333 = arith.maximumf %add3A_330, %max3A_332 : vector<16xf32>
        %swap3A_334 = arith.index_cast %scan3A_187 : i32 to index
        %swap3A_335 = arith.constant 96 : index
        %swap3A_336 = tpu.vector_load %arg10[%swap3A_334, %swap3A_335] {strides = array<i32>} : memref<128x128xf32, #tpu.memory_space<vmem>>, vector<1x16xf32>,
        %swap3A_337 = vector.shape_cast %swap3A_336 : vector<1x16xf32> to vector<16xf32>
        %swap3A_338 = vector.shape_cast %max3A_333 : vector<16xf32> to vector<1x16xf32>
        tpu.vector_store %arg10[%swap3A_334, %swap3A_335], %swap3A_338 {strides = array<i32>} : memref<128x128xf32, #tpu.memory_space<vmem>>, vector<1x16xf32>,
        %get3A_339 = arith.index_cast %scan3A_187 : i32 to index
        %get3A_340 = arith.constant 112 : index
        %get3A_341 = tpu.vector_load %arg8[%get3A_339, %get3A_340] {strides = array<i32>} : memref<128x128xf32, #tpu.memory_space<vmem>>, vector<1x16xf32>,
        %get3A_342 = vector.shape_cast %get3A_341 : vector<1x16xf32> to vector<16xf32>
        %get3A_343 = arith.index_cast %scan3A_187 : i32 to index
        %get3A_344 = arith.constant 112 : index
        %get3A_345 = tpu.vector_load %arg9[%get3A_343, %get3A_344] {strides = array<i32>} : memref<128x128xf32, #tpu.memory_space<vmem>>, vector<1x16xf32>,
        %get3A_346 = vector.shape_cast %get3A_345 : vector<1x16xf32> to vector<16xf32>
        %add3A_347 = arith.addf %get3A_342, %get3A_346 : vector<16xf32>
        %get3A_348 = arith.index_cast %scan3A_187 : i32 to index
        %get3A_349 = arith.constant 112 : index
        %get3A_350 = tpu.vector_load %arg10[%get3A_348, %get3A_349] {strides = array<i32>} : memref<128x128xf32, #tpu.memory_space<vmem>>, vector<1x16xf32>,
        %get3A_351 = vector.shape_cast %get3A_350 : vector<1x16xf32> to vector<16xf32>
        %add3A_352 = arith.addf %add3A_347, %get3A_351 : vector<16xf32>
        %max3A_353 = arith.constant 0.000000e+00 : f32
        %max3A_354 = vector.broadcast %max3A_353 : f32 to vector<16xf32>
        %max3A_355 = arith.maximumf %add3A_352, %max3A_354 : vector<16xf32>
        %swap3A_356 = arith.index_cast %scan3A_187 : i32 to index
        %swap3A_357 = arith.constant 112 : index
        %swap3A_358 = tpu.vector_load %arg10[%swap3A_356, %swap3A_357] {strides = array<i32>} : memref<128x128xf32, #tpu.memory_space<vmem>>, vector<1x16xf32>,
        %swap3A_359 = vector.shape_cast %swap3A_358 : vector<1x16xf32> to vector<16xf32>
        %swap3A_360 = vector.shape_cast %max3A_355 : vector<16xf32> to vector<1x16xf32>
        tpu.vector_store %arg10[%swap3A_356, %swap3A_357], %swap3A_360 {strides = array<i32>} : memref<128x128xf32, #tpu.memory_space<vmem>>, vector<1x16xf32>,
      }
      %scan3A_144 = arith.constant 128 : i32
      %add3A_145 = arith.constant 1 : i32
      %add3A_146 = arith.addi %scan3A_101, %add3A_145 : i32
      %min3A_147 = arith.constant 78 : i32
      %min3A_148 = arith.minsi %add3A_146, %min3A_147 : i32
      %dma_start3A_149 = arith.constant 0 : i32
      %dma_start3A_150 = arith.constant 0 : i32
      %dma_start3A_151 = tpu.memref_slice %arg7[%rem3A_106, %dma_start3A_149, %dma_start3A_150] : memref<2x2x128xi32, #tpu.memory_space<vmem>> -> memref<1x1x128xi32, #tpu.memory_space<vmem>>
      %dma_start3A_152 = tpu.memref_squeeze %dma_start3A_151 : memref<1x1x128xi32, #tpu.memory_space<vmem>> -> memref<128xi32, #tpu.memory_space<vmem>>
      %dma_start3A_153 = arith.constant 0 : i32
      %dma_start3A_154 = arith.constant 0 : i32
      %dma_start3A_155 = tpu.memref_slice %arg2[%dma_start3A_153, %dma_start3A_154] : memref<10000x128xf32, #tpu.memory_space<hbm>> -> memref<10000x128xf32, #tpu.memory_space<hbm>>
      tpu.enqueue_indirect_dma source(%dma_start3A_155 : memref<10000x128xf32, #tpu.memory_space<hbm>>) target(%arg8 : memref<128x128xf32, #tpu.memory_space<vmem>>) offsets(%dma_start3A_152 : memref<128xi32, #tpu.memory_space<vmem>>) semaphore(%arg12 : memref<!tpu.dma_semaphore, #tpu.memory_space<semaphore_mem>>)
      %dma_start3A_156 = arith.constant 1 : i32
      %dma_start3A_157 = arith.constant 0 : i32
      %dma_start3A_158 = tpu.memref_slice %arg7[%rem3A_106, %dma_start3A_156, %dma_start3A_157] : memref<2x2x128xi32, #tpu.memory_space<vmem>> -> memref<1x1x128xi32, #tpu.memory_space<vmem>>
      %dma_start3A_159 = tpu.memref_squeeze %dma_start3A_158 : memref<1x1x128xi32, #tpu.memory_space<vmem>> -> memref<128xi32, #tpu.memory_space<vmem>>
      %dma_start3A_160 = arith.constant 0 : i32
      %dma_start3A_161 = arith.constant 0 : i32
      %dma_start3A_162 = tpu.memref_slice %arg3[%dma_start3A_160, %dma_start3A_161] : memref<10000x128xf32, #tpu.memory_space<hbm>> -> memref<10000x128xf32, #tpu.memory_space<hbm>>
      tpu.enqueue_indirect_dma source(%dma_start3A_162 : memref<10000x128xf32, #tpu.memory_space<hbm>>) target(%arg9 : memref<128x128xf32, #tpu.memory_space<vmem>>) offsets(%dma_start3A_159 : memref<128xi32, #tpu.memory_space<vmem>>) semaphore(%arg13 : memref<!tpu.dma_semaphore, #tpu.memory_space<semaphore_mem>>)
      %run_scoped3A = arith.constant 1 : i32
      "tpu.region"() ({
        %run_scoped3A_187 = tpu.sem_alloc : memref<!tpu.dma_semaphore, #tpu.memory_space<semaphore_mem>>
        %dma_start3A_188 = arith.constant 0 : i32
        %dma_start3A_189 = tpu.memref_slice %arg7[%rem3A_102, %run_scoped3A, %dma_start3A_188] : memref<2x2x128xi32, #tpu.memory_space<vmem>> -> memref<1x1x128xi32, #tpu.memory_space<vmem>>
        %dma_start3A_190 = tpu.memref_squeeze %dma_start3A_189 : memref<1x1x128xi32, #tpu.memory_space<vmem>> -> memref<128xi32, #tpu.memory_space<vmem>>
        %dma_start3A_191 = arith.constant 0 : i32
        %dma_start3A_192 = arith.constant 0 : i32
        %dma_start3A_193 = tpu.memref_slice %arg11[%dma_start3A_191, %dma_start3A_192] : memref<10000x128xf32, #tpu.memory_space<vmem_shared>> -> memref<10000x128xf32, #tpu.memory_space<vmem_shared>>
        tpu.enqueue_indirect_dma source(%arg10 : memref<128x128xf32, #tpu.memory_space<vmem>>) target(%dma_start3A_193 : memref<10000x128xf32, #tpu.memory_space<vmem_shared>>) offsets(%dma_start3A_190 : memref<128xi32, #tpu.memory_space<vmem>>) semaphore(%run_scoped3A_187 : memref<!tpu.dma_semaphore, #tpu.memory_space<semaphore_mem>>) {add = true}
        %dma_wait3A_194 = arith.constant 0 : i32
        %dma_wait3A_195 = tpu.memref_slice %arg7[%rem3A_102, %run_scoped3A, %dma_wait3A_194] : memref<2x2x128xi32, #tpu.memory_space<vmem>> -> memref<1x1x128xi32, #tpu.memory_space<vmem>>
        %dma_wait3A_196 = tpu.memref_squeeze %dma_wait3A_195 : memref<1x1x128xi32, #tpu.memory_space<vmem>> -> memref<128xi32, #tpu.memory_space<vmem>>
        %dma_wait3A_197 = arith.constant 0 : i32
        %dma_wait3A_198 = arith.constant 0 : i32
        %dma_wait3A_199 = tpu.memref_slice %arg11[%dma_wait3A_197, %dma_wait3A_198] : memref<10000x128xf32, #tpu.memory_space<vmem_shared>> -> memref<10000x128xf32, #tpu.memory_space<vmem_shared>>
        tpu.wait_indirect_dma semaphore(%run_scoped3A_187 : memref<!tpu.dma_semaphore, #tpu.memory_space<semaphore_mem>>) src(%arg10 : memref<128x128xf32, #tpu.memory_space<vmem>>) dst(%dma_wait3A_199 : memref<10000x128xf32, #tpu.memory_space<vmem_shared>>)
        tpu.yield
      }) : () -> ()
      %add3A_163 = arith.addi %mul3A_20, %min3A_148 : i32
      %mul3A_164 = arith.constant 128 : i32
      %mul3A_165 = arith.muli %add3A_163, %mul3A_164 : i32
      %dma_start3A_166 = arith.constant 0 : i32
      %dma_start3A_167 = tpu.memref_slice %arg4[%mul3A_165, %dma_start3A_166] : memref<323584x128xf32, #tpu.memory_space<hbm>> -> memref<128x128xf32, #tpu.memory_space<hbm>>
      %dma_start3A_168 = arith.constant 0 : i32
      %dma_start3A_169 = tpu.memref_slice %arg4[%mul3A_165, %dma_start3A_168] : memref<323584x128xf32, #tpu.memory_space<hbm>> -> memref<128x128xf32, #tpu.memory_space<hbm>>
      tpu.enqueue_dma source(%dma_start3A_169 : memref<128x128xf32, #tpu.memory_space<hbm>>) target(%arg10 : memref<128x128xf32, #tpu.memory_space<vmem>>) target_semaphore(%arg14 : memref<!tpu.dma_semaphore, #tpu.memory_space<semaphore_mem>>)
      %add3A_170 = arith.constant 2 : i32
      %add3A_171 = arith.addi %scan3A_101, %add3A_170 : i32
      %min3A_172 = arith.constant 78 : i32
      %min3A_173 = arith.minsi %add3A_171, %min3A_172 : i32
      %add3A_174 = arith.addi %mul3A_20, %min3A_173 : i32
      %dma_start3A_175 = arith.constant 0 : i32
      %dma_start3A_176 = arith.constant 0 : i32
      %dma_start3A_177 = tpu.memref_slice %arg7[%rem3A_102, %dma_start3A_175, %dma_start3A_176] : memref<2x2x128xi32, #tpu.memory_space<vmem>> -> memref<1x2x128xi32, #tpu.memory_space<vmem>>
      %dma_start3A_178 = arith.constant 0 : i32
      %dma_start3A_179 = arith.constant 0 : i32
      %dma_start3A_180 = tpu.memref_slice %arg5[%add3A_174, %dma_start3A_178, %dma_start3A_179] : memref<2528x2x128xi32, #tpu.memory_space<hbm>> -> memref<1x2x128xi32, #tpu.memory_space<hbm>>
      %dma_start3A_181 = arith.constant 0 : i32
      %dma_start3A_182 = arith.constant 0 : i32
      %dma_start3A_183 = tpu.memref_slice %arg7[%rem3A_102, %dma_start3A_181, %dma_start3A_182] : memref<2x2x128xi32, #tpu.memory_space<vmem>> -> memref<1x2x128xi32, #tpu.memory_space<vmem>>
      %dma_start3A_184 = arith.constant 0 : i32
      %dma_start3A_185 = arith.constant 0 : i32
      %dma_start3A_186 = tpu.memref_slice %arg5[%add3A_174, %dma_start3A_184, %dma_start3A_185] : memref<2528x2x128xi32, #tpu.memory_space<hbm>> -> memref<1x2x128xi32, #tpu.memory_space<hbm>>
      tpu.enqueue_dma source(%dma_start3A_186 : memref<1x2x128xi32, #tpu.memory_space<hbm>>) target(%dma_start3A_183 : memref<1x2x128xi32, #tpu.memory_space<vmem>>) target_semaphore(%arg15 : memref<!tpu.dma_semaphore, #tpu.memory_space<semaphore_mem>>)
    }
    %scan3A_63 = arith.constant 79 : i32
    %dma_wait3A = arith.constant 0 : i32
    %dma_wait3A_64 = arith.constant 0 : i32
    %dma_wait3A_65 = tpu.memref_slice %arg4[%dma_wait3A, %dma_wait3A_64] : memref<323584x128xf32, #tpu.memory_space<hbm>> -> memref<128x128xf32, #tpu.memory_space<hbm>>
    %dma_wait3A_66 = arith.constant 0 : i32
    %dma_wait3A_67 = arith.constant 0 : i32
    %dma_wait3A_68 = tpu.memref_slice %arg4[%dma_wait3A_66, %dma_wait3A_67] : memref<323584x128xf32, #tpu.memory_space<hbm>> -> memref<128x128xf32, #tpu.memory_space<hbm>>
    tpu.wait_dma2 semaphore(%arg12 : memref<!tpu.dma_semaphore, #tpu.memory_space<semaphore_mem>>) src(%dma_wait3A_68 : memref<128x128xf32, #tpu.memory_space<hbm>>) dst(%arg8 : memref<128x128xf32, #tpu.memory_space<vmem>>)
    %dma_wait3A_69 = arith.constant 0 : i32
    %dma_wait3A_70 = arith.constant 0 : i32
    %dma_wait3A_71 = tpu.memref_slice %arg4[%dma_wait3A_69, %dma_wait3A_70] : memref<323584x128xf32, #tpu.memory_space<hbm>> -> memref<128x128xf32, #tpu.memory_space<hbm>>
    %dma_wait3A_72 = arith.constant 0 : i32
    %dma_wait3A_73 = arith.constant 0 : i32
    %dma_wait3A_74 = tpu.memref_slice %arg4[%dma_wait3A_72, %dma_wait3A_73] : memref<323584x128xf32, #tpu.memory_space<hbm>> -> memref<128x128xf32, #tpu.memory_space<hbm>>
    tpu.wait_dma2 semaphore(%arg13 : memref<!tpu.dma_semaphore, #tpu.memory_space<semaphore_mem>>) src(%dma_wait3A_74 : memref<128x128xf32, #tpu.memory_space<hbm>>) dst(%arg9 : memref<128x128xf32, #tpu.memory_space<vmem>>)
    %dma_wait3A_75 = arith.constant 0 : i32
    %dma_wait3A_76 = arith.constant 0 : i32
    %dma_wait3A_77 = tpu.memref_slice %arg4[%dma_wait3A_75, %dma_wait3A_76] : memref<323584x128xf32, #tpu.memory_space<hbm>> -> memref<128x128xf32, #tpu.memory_space<hbm>>
    %dma_wait3A_78 = arith.constant 0 : i32
    %dma_wait3A_79 = arith.constant 0 : i32
    %dma_wait3A_80 = tpu.memref_slice %arg4[%dma_wait3A_78, %dma_wait3A_79] : memref<323584x128xf32, #tpu.memory_space<hbm>> -> memref<128x128xf32, #tpu.memory_space<hbm>>
    tpu.wait_dma2 semaphore(%arg14 : memref<!tpu.dma_semaphore, #tpu.memory_space<semaphore_mem>>) src(%dma_wait3A_80 : memref<128x128xf32, #tpu.memory_space<hbm>>) dst(%arg10 : memref<128x128xf32, #tpu.memory_space<vmem>>)
    %dma_wait3A_81 = arith.constant 0 : i32
    %dma_wait3A_82 = arith.constant 0 : i32
    %dma_wait3A_83 = arith.constant 0 : i32
    %dma_wait3A_84 = tpu.memref_slice %arg7[%dma_wait3A_81, %dma_wait3A_82, %dma_wait3A_83] : memref<2x2x128xi32, #tpu.memory_space<vmem>> -> memref<1x2x128xi32, #tpu.memory_space<vmem>>
    %dma_wait3A_85 = arith.constant 0 : i32
    %dma_wait3A_86 = arith.constant 0 : i32
    %dma_wait3A_87 = arith.constant 0 : i32
    %dma_wait3A_88 = tpu.memref_slice %arg5[%dma_wait3A_85, %dma_wait3A_86, %dma_wait3A_87] : memref<2528x2x128xi32, #tpu.memory_space<hbm>> -> memref<1x2x128xi32, #tpu.memory_space<hbm>>
    %dma_wait3A_89 = arith.constant 0 : i32
    %dma_wait3A_90 = arith.constant 0 : i32
    %dma_wait3A_91 = arith.constant 0 : i32
    %dma_wait3A_92 = tpu.memref_slice %arg7[%dma_wait3A_89, %dma_wait3A_90, %dma_wait3A_91] : memref<2x2x128xi32, #tpu.memory_space<vmem>> -> memref<1x2x128xi32, #tpu.memory_space<vmem>>
    %dma_wait3A_93 = arith.constant 0 : i32
    %dma_wait3A_94 = arith.constant 0 : i32
    %dma_wait3A_95 = arith.constant 0 : i32
    %dma_wait3A_96 = tpu.memref_slice %arg5[%dma_wait3A_93, %dma_wait3A_94, %dma_wait3A_95] : memref<2528x2x128xi32, #tpu.memory_space<hbm>> -> memref<1x2x128xi32, #tpu.memory_space<hbm>>
    tpu.wait_dma2 semaphore(%arg15 : memref<!tpu.dma_semaphore, #tpu.memory_space<semaphore_mem>>) src(%dma_wait3A_96 : memref<1x2x128xi32, #tpu.memory_space<hbm>>) dst(%dma_wait3A_92 : memref<1x2x128xi32, #tpu.memory_space<vmem>>)
    %barrier3A_97 = arith.constant 0 : index
    tpu.barrier barrier_id(%barrier3A_97)
    %mul3A_98 = arith.constant 10000 : i32
    %mul3A_99 = arith.muli %arg0, %mul3A_98 : i32
    %add3A_100 = arith.addi %mul3A_99, %min3A_3 : i32
    "tpu.region"() ({
      %run_scoped3A = tpu.sem_alloc : memref<!tpu.dma_semaphore, #tpu.memory_space<semaphore_mem>>
      %dma_start3A_101 = arith.constant 0 : i32
      %dma_start3A_102 = tpu.memref_slice %arg6[%add3A_100, %dma_start3A_101] : memref<20000x128xf32, #tpu.memory_space<hbm>> -> memref<632x128xf32, #tpu.memory_space<hbm>>
      %dma_start3A_103 = arith.constant 0 : i32
      %dma_start3A_104 = tpu.memref_slice %arg11[%min3A_3, %dma_start3A_103] : memref<10000x128xf32, #tpu.memory_space<vmem_shared>> -> memref<632x128xf32, #tpu.memory_space<vmem_shared>>
      tpu.enqueue_dma source(%dma_start3A_104 : memref<632x128xf32, #tpu.memory_space<vmem_shared>>) target(%dma_start3A_102 : memref<632x128xf32, #tpu.memory_space<hbm>>) target_semaphore(%run_scoped3A : memref<!tpu.dma_semaphore, #tpu.memory_space<semaphore_mem>>)
      %dma_wait3A_105 = arith.constant 0 : i32
      %dma_wait3A_106 = tpu.memref_slice %arg6[%add3A_100, %dma_wait3A_105] : memref<20000x128xf32, #tpu.memory_space<hbm>> -> memref<632x128xf32, #tpu.memory_space<hbm>>
      %dma_wait3A_107 = arith.constant 0 : i32
      %dma_wait3A_108 = tpu.memref_slice %arg11[%min3A_3, %dma_wait3A_107] : memref<10000x128xf32, #tpu.memory_space<vmem_shared>> -> memref<632x128xf32, #tpu.memory_space<vmem_shared>>
      tpu.wait_dma2 semaphore(%run_scoped3A : memref<!tpu.dma_semaphore, #tpu.memory_space<semaphore_mem>>) src(%dma_wait3A_108 : memref<632x128xf32, #tpu.memory_space<vmem_shared>>) dst(%dma_wait3A_106 : memref<632x128xf32, #tpu.memory_space<hbm>>)
      tpu.yield
    }) : () -> ()
    return
  }
}

module attributes {stable_mosaic.version = 14 : i64} {
  func.func @_xab_body(%arg0: i32, %arg1: memref<2000x128xf32, #tpu.memory_space<vmem>>, %arg2: memref<128x128xf32, #tpu.memory_space<vmem>>, %arg3: memref<128x128xf32, #tpu.memory_space<vmem>>, %arg4: memref<2000x128xf32, #tpu.memory_space<vmem>>, %arg5: memref<2000x128xf32, #tpu.memory_space<vmem>>) attributes {dimension_semantics = [#tpu.dimension_semantics<arbitrary>], iteration_bounds = array<i64: 5>, scalar_prefetch = 0 : i64, scratch_operands = 0 : i64, tpu.core_type = #tpu.core_type<tc>, window_params = [{transform_indices = @transform_0, window_bounds = array<i64: 2000, 128>}, {pipeline_mode = #tpu.pipeline_mode<synchronous>, transform_indices = @transform_1, window_bounds = array<i64: 128, 128>}, {pipeline_mode = #tpu.pipeline_mode<synchronous>, transform_indices = @transform_2, window_bounds = array<i64: 128, 128>}, {transform_indices = @transform_3, window_bounds = array<i64: 2000, 128>}, {transform_indices = @transform_4, window_bounds = array<i64: 2000, 128>}]} {
    %get3A = arith.constant 0 : index
    %get3A_0 = arith.constant 0 : index
    %get3A_1 = vector.load %arg1[%get3A, %get3A_0] : memref<2000x128xf32, #tpu.memory_space<vmem>>, vector<2000x128xf32>
    %get3A_2 = arith.constant 0 : index
    %get3A_3 = arith.constant 0 : index
    %get3A_4 = vector.load %arg2[%get3A_2, %get3A_3] : memref<128x128xf32, #tpu.memory_space<vmem>>, vector<128x128xf32>
    %dot_general3A = arith.constant dense<0.000000e+00> : vector<2000x128xf32>
    %dot_general3A_5 = tpu.matmul %get3A_1, %get3A_4, %dot_general3A {dimension_numbers = #tpu.dot_dimension_numbers<[1], [0], [0], [1], [0, 0, 1, 1], [], []>, transpose_lhs_hint = false} : vector<2000x128xf32>, vector<128x128xf32>, vector<2000x128xf32> -> vector<2000x128xf32>
    %swap3A = arith.constant 0 : index
    %swap3A_6 = arith.constant 0 : index
    %swap3A_7 = vector.load %arg4[%swap3A, %swap3A_6] : memref<2000x128xf32, #tpu.memory_space<vmem>>, vector<2000x128xf32>
    tpu.vector_store %arg4[%swap3A, %swap3A_6], %dot_general3A_5 {strides = array<i32>} : memref<2000x128xf32, #tpu.memory_space<vmem>>, vector<2000x128xf32>,
    %get3A_8 = arith.constant 0 : index
    %get3A_9 = arith.constant 0 : index
    %get3A_10 = vector.load %arg3[%get3A_8, %get3A_9] : memref<128x128xf32, #tpu.memory_space<vmem>>, vector<128x128xf32>
    %dot_general3A_11 = arith.constant dense<0.000000e+00> : vector<2000x128xf32>
    %dot_general3A_12 = tpu.matmul %get3A_1, %get3A_10, %dot_general3A_11 {dimension_numbers = #tpu.dot_dimension_numbers<[1], [0], [0], [1], [0, 0, 1, 1], [], []>, transpose_lhs_hint = false} : vector<2000x128xf32>, vector<128x128xf32>, vector<2000x128xf32> -> vector<2000x128xf32>
    %swap3A_13 = arith.constant 0 : index
    %swap3A_14 = arith.constant 0 : index
    %swap3A_15 = vector.load %arg5[%swap3A_13, %swap3A_14] : memref<2000x128xf32, #tpu.memory_space<vmem>>, vector<2000x128xf32>
    tpu.vector_store %arg5[%swap3A_13, %swap3A_14], %dot_general3A_12 {strides = array<i32>} : memref<2000x128xf32, #tpu.memory_space<vmem>>, vector<2000x128xf32>,
    return
  }
  func.func @transform_0(%arg0: i32) -> (i32, i32) {
    %c0_i32 = arith.constant 0 : i32
    %c0_i32_0 = arith.constant 0 : i32
    return %arg0, %c0_i32 : i32, i32
  }
  func.func @transform_1(%arg0: i32) -> (i32, i32) {
    %c0_i32 = arith.constant 0 : i32
    %c0_i32_0 = arith.constant 0 : i32
    %c0_i32_1 = arith.constant 0 : i32
    return %c0_i32, %c0_i32_0 : i32, i32
  }
  func.func @transform_2(%arg0: i32) -> (i32, i32) {
    %c0_i32 = arith.constant 0 : i32
    %c0_i32_0 = arith.constant 0 : i32
    %c0_i32_1 = arith.constant 0 : i32
    return %c0_i32, %c0_i32_0 : i32, i32
  }
  func.func @transform_3(%arg0: i32) -> (i32, i32) {
    %c0_i32 = arith.constant 0 : i32
    %c0_i32_0 = arith.constant 0 : i32
    return %arg0, %c0_i32 : i32, i32
  }
  func.func @transform_4(%arg0: i32) -> (i32, i32) {
    %c0_i32 = arith.constant 0 : i32
    %c0_i32_0 = arith.constant 0 : i32
    return %arg0, %c0_i32 : i32, i32
  }
}

module attributes {stable_mosaic.version = 14 : i64} {
  func.func @_c_body(%arg0: i32, %arg1: memref<4096x16xf32, #tpu.memory_space<vmem>>, %arg2: memref<16x128xf32, #tpu.memory_space<vmem>>, %arg3: memref<1x128xf32, #tpu.memory_space<vmem>>, %arg4: memref<4096x128xf32, #tpu.memory_space<vmem>>) attributes {dimension_semantics = [#tpu.dimension_semantics<arbitrary>], iteration_bounds = array<i64: 79>, scalar_prefetch = 0 : i64, scratch_operands = 0 : i64, tpu.core_type = #tpu.core_type<tc>, window_params = [{transform_indices = @transform_0, window_bounds = array<i64: 4096, 16>}, {pipeline_mode = #tpu.pipeline_mode<synchronous>, transform_indices = @transform_1, window_bounds = array<i64: 16, 128>}, {pipeline_mode = #tpu.pipeline_mode<synchronous>, transform_indices = @transform_2, window_bounds = array<i64: 1, 128>}, {transform_indices = @transform_3, window_bounds = array<i64: 4096, 128>}]} {
    %iota3A = tpu.iota {dimensions = array<i32: 0>} : vector<4096x1xi32>
    %mul3A = arith.constant 4096 : i32
    %mul3A_0 = arith.muli %arg0, %mul3A : i32
    %add3A = vector.broadcast %mul3A_0 : i32 to vector<4096x1xi32>
    %add3A_1 = arith.addi %iota3A, %add3A : vector<4096x1xi32>
    %get3A = arith.constant 0 : index
    %get3A_2 = arith.constant 0 : index
    %get3A_3 = vector.load %arg1[%get3A, %get3A_2] : memref<4096x16xf32, #tpu.memory_space<vmem>>, vector<4096x16xf32>
    %get3A_4 = arith.constant 0 : index
    %get3A_5 = arith.constant 0 : index
    %get3A_6 = vector.load %arg2[%get3A_4, %get3A_5] : memref<16x128xf32, #tpu.memory_space<vmem>>, vector<16x128xf32>
    %dot_general3A = arith.constant dense<0.000000e+00> : vector<4096x128xf32>
    %dot_general3A_7 = tpu.matmul %get3A_3, %get3A_6, %dot_general3A {dimension_numbers = #tpu.dot_dimension_numbers<[1], [0], [0], [1], [0, 0, 1, 1], [], []>, transpose_lhs_hint = false} : vector<4096x16xf32>, vector<16x128xf32>, vector<4096x128xf32> -> vector<4096x128xf32>
    %get3A_8 = arith.constant 0 : index
    %get3A_9 = arith.constant 0 : index
    %get3A_10 = vector.load %arg3[%get3A_8, %get3A_9] : memref<1x128xf32, #tpu.memory_space<vmem>>, vector<1x128xf32>
    %add3A_11 = vector.broadcast %get3A_10 : vector<1x128xf32> to vector<4096x128xf32>
    %add3A_12 = arith.addf %dot_general3A_7, %add3A_11 : vector<4096x128xf32>
    %lt3A = arith.constant 320000 : i32
    %lt3A_13 = vector.broadcast %lt3A : i32 to vector<4096x1xi32>
    %lt3A_14 = arith.cmpi slt, %add3A_1, %lt3A_13 : vector<4096x1xi32>
    %jit3A = arith.constant -1.000000e+30 : f32
    %broadcast_in_dim3A = vector.shape_cast %lt3A_14 : vector<4096x1xi1> to vector<4096x1xi1>
    %broadcast_in_dim3A_15 = vector.broadcast %broadcast_in_dim3A : vector<4096x1xi1> to vector<4096x128xi1>
    %broadcast_in_dim3A_16 = vector.broadcast %jit3A : f32 to vector<4096x128xf32>
    %select_n3A = arith.select %broadcast_in_dim3A_15, %add3A_12, %broadcast_in_dim3A_16 : vector<4096x128xi1>, vector<4096x128xf32>
    %swap3A = arith.constant 0 : index
    %swap3A_17 = arith.constant 0 : index
    %swap3A_18 = vector.load %arg4[%swap3A, %swap3A_17] : memref<4096x128xf32, #tpu.memory_space<vmem>>, vector<4096x128xf32>
    tpu.vector_store %arg4[%swap3A, %swap3A_17], %select_n3A {strides = array<i32>} : memref<4096x128xf32, #tpu.memory_space<vmem>>, vector<4096x128xf32>,
    return
  }
  func.func @transform_0(%arg0: i32) -> (i32, i32) {
    %c0_i32 = arith.constant 0 : i32
    %c0_i32_0 = arith.constant 0 : i32
    return %arg0, %c0_i32 : i32, i32
  }
  func.func @transform_1(%arg0: i32) -> (i32, i32) {
    %c0_i32 = arith.constant 0 : i32
    %c0_i32_0 = arith.constant 0 : i32
    %c0_i32_1 = arith.constant 0 : i32
    return %c0_i32, %c0_i32_0 : i32, i32
  }
  func.func @transform_2(%arg0: i32) -> (i32, i32) {
    %c0_i32 = arith.constant 0 : i32
    %c0_i32_0 = arith.constant 0 : i32
    %c0_i32_1 = arith.constant 0 : i32
    return %c0_i32, %c0_i32_0 : i32, i32
  }
  func.func @transform_3(%arg0: i32) -> (i32, i32) {
    %c0_i32 = arith.constant 0 : i32
    %c0_i32_0 = arith.constant 0 : i32
    return %arg0, %c0_i32 : i32, i32
  }
}

module attributes {stable_mosaic.version = 14 : i64} {
  func.func @_gru_body(%arg0: i32, %arg1: memref<2000x128xf32, #tpu.memory_space<vmem>>, %arg2: memref<2000x128xf32, #tpu.memory_space<vmem>>, %arg3: memref<2000x128xf32, #tpu.memory_space<vmem>>, %arg4: memref<128x128xf32, #tpu.memory_space<vmem>>, %arg5: memref<128x128xf32, #tpu.memory_space<vmem>>, %arg6: memref<128x128xf32, #tpu.memory_space<vmem>>, %arg7: memref<128x128xf32, #tpu.memory_space<vmem>>, %arg8: memref<128x128xf32, #tpu.memory_space<vmem>>, %arg9: memref<128x128xf32, #tpu.memory_space<vmem>>, %arg10: memref<1x128xf32, #tpu.memory_space<vmem>>, %arg11: memref<1x128xf32, #tpu.memory_space<vmem>>, %arg12: memref<1x128xf32, #tpu.memory_space<vmem>>, %arg13: memref<2000x128xf32, #tpu.memory_space<vmem>>) attributes {dimension_semantics = [#tpu.dimension_semantics<arbitrary>], iteration_bounds = array<i64: 5>, scalar_prefetch = 0 : i64, scratch_operands = 0 : i64, tpu.core_type = #tpu.core_type<tc>, window_params = [{transform_indices = @transform_0, window_bounds = array<i64: 2000, 128>}, {transform_indices = @transform_1, window_bounds = array<i64: 2000, 128>}, {transform_indices = @transform_2, window_bounds = array<i64: 2000, 128>}, {pipeline_mode = #tpu.pipeline_mode<synchronous>, transform_indices = @transform_3, window_bounds = array<i64: 128, 128>}, {pipeline_mode = #tpu.pipeline_mode<synchronous>, transform_indices = @transform_4, window_bounds = array<i64: 128, 128>}, {pipeline_mode = #tpu.pipeline_mode<synchronous>, transform_indices = @transform_5, window_bounds = array<i64: 128, 128>}, {pipeline_mode = #tpu.pipeline_mode<synchronous>, transform_indices = @transform_6, window_bounds = array<i64: 128, 128>}, {pipeline_mode = #tpu.pipeline_mode<synchronous>, transform_indices = @transform_7, window_bounds = array<i64: 128, 128>}, {pipeline_mode = #tpu.pipeline_mode<synchronous>, transform_indices = @transform_8, window_bounds = array<i64: 128, 128>}, {pipeline_mode = #tpu.pipeline_mode<synchronous>, transform_indices = @transform_9, window_bounds = array<i64: 1, 128>}, {pipeline_mode = #tpu.pipeline_mode<synchronous>, transform_indices = @transform_10, window_bounds = array<i64: 1, 128>}, {pipeline_mode = #tpu.pipeline_mode<synchronous>, transform_indices = @transform_11, window_bounds = array<i64: 1, 128>}, {transform_indices = @transform_12, window_bounds = array<i64: 2000, 128>}]} {
    %get3A = arith.constant 0 : index
    %get3A_0 = arith.constant 0 : index
    %get3A_1 = vector.load %arg1[%get3A, %get3A_0] : memref<2000x128xf32, #tpu.memory_space<vmem>>, vector<2000x128xf32>
    %get3A_2 = arith.constant 0 : index
    %get3A_3 = arith.constant 0 : index
    %get3A_4 = vector.load %arg2[%get3A_2, %get3A_3] : memref<2000x128xf32, #tpu.memory_space<vmem>>, vector<2000x128xf32>
    %add3A = arith.addf %get3A_1, %get3A_4 : vector<2000x128xf32>
    %get3A_5 = arith.constant 0 : index
    %get3A_6 = arith.constant 0 : index
    %get3A_7 = vector.load %arg3[%get3A_5, %get3A_6] : memref<2000x128xf32, #tpu.memory_space<vmem>>, vector<2000x128xf32>
    %get3A_8 = arith.constant 0 : index
    %get3A_9 = arith.constant 0 : index
    %get3A_10 = vector.load %arg4[%get3A_8, %get3A_9] : memref<128x128xf32, #tpu.memory_space<vmem>>, vector<128x128xf32>
    %dot_general3A = arith.constant dense<0.000000e+00> : vector<2000x128xf32>
    %dot_general3A_11 = tpu.matmul %add3A, %get3A_10, %dot_general3A {dimension_numbers = #tpu.dot_dimension_numbers<[1], [0], [0], [1], [0, 0, 1, 1], [], []>, transpose_lhs_hint = false} : vector<2000x128xf32>, vector<128x128xf32>, vector<2000x128xf32> -> vector<2000x128xf32>
    %get3A_12 = arith.constant 0 : index
    %get3A_13 = arith.constant 0 : index
    %get3A_14 = vector.load %arg5[%get3A_12, %get3A_13] : memref<128x128xf32, #tpu.memory_space<vmem>>, vector<128x128xf32>
    %dot_general3A_15 = arith.constant dense<0.000000e+00> : vector<2000x128xf32>
    %dot_general3A_16 = tpu.matmul %get3A_7, %get3A_14, %dot_general3A_15 {dimension_numbers = #tpu.dot_dimension_numbers<[1], [0], [0], [1], [0, 0, 1, 1], [], []>, transpose_lhs_hint = false} : vector<2000x128xf32>, vector<128x128xf32>, vector<2000x128xf32> -> vector<2000x128xf32>
    %add3A_17 = arith.addf %dot_general3A_11, %dot_general3A_16 : vector<2000x128xf32>
    %get3A_18 = arith.constant 0 : index
    %get3A_19 = arith.constant 0 : index
    %get3A_20 = vector.load %arg10[%get3A_18, %get3A_19] : memref<1x128xf32, #tpu.memory_space<vmem>>, vector<1x128xf32>
    %add3A_21 = vector.broadcast %get3A_20 : vector<1x128xf32> to vector<2000x128xf32>
    %add3A_22 = arith.addf %add3A_17, %add3A_21 : vector<2000x128xf32>
    %logistic3A = arith.negf %add3A_22 : vector<2000x128xf32>
    %logistic3A_23 = math.exp %logistic3A : vector<2000x128xf32>
    %logistic3A_24 = arith.constant 1.000000e+00 : f32
    %logistic3A_25 = vector.broadcast %logistic3A_24 : f32 to vector<2000x128xf32>
    %logistic3A_26 = arith.addf %logistic3A_25, %logistic3A_23 : vector<2000x128xf32>
    %logistic3A_27 = arith.divf %logistic3A_25, %logistic3A_26 : vector<2000x128xf32>
    %get3A_28 = arith.constant 0 : index
    %get3A_29 = arith.constant 0 : index
    %get3A_30 = vector.load %arg6[%get3A_28, %get3A_29] : memref<128x128xf32, #tpu.memory_space<vmem>>, vector<128x128xf32>
    %dot_general3A_31 = arith.constant dense<0.000000e+00> : vector<2000x128xf32>
    %dot_general3A_32 = tpu.matmul %add3A, %get3A_30, %dot_general3A_31 {dimension_numbers = #tpu.dot_dimension_numbers<[1], [0], [0], [1], [0, 0, 1, 1], [], []>, transpose_lhs_hint = false} : vector<2000x128xf32>, vector<128x128xf32>, vector<2000x128xf32> -> vector<2000x128xf32>
    %get3A_33 = arith.constant 0 : index
    %get3A_34 = arith.constant 0 : index
    %get3A_35 = vector.load %arg7[%get3A_33, %get3A_34] : memref<128x128xf32, #tpu.memory_space<vmem>>, vector<128x128xf32>
    %dot_general3A_36 = arith.constant dense<0.000000e+00> : vector<2000x128xf32>
    %dot_general3A_37 = tpu.matmul %get3A_7, %get3A_35, %dot_general3A_36 {dimension_numbers = #tpu.dot_dimension_numbers<[1], [0], [0], [1], [0, 0, 1, 1], [], []>, transpose_lhs_hint = false} : vector<2000x128xf32>, vector<128x128xf32>, vector<2000x128xf32> -> vector<2000x128xf32>
    %add3A_38 = arith.addf %dot_general3A_32, %dot_general3A_37 : vector<2000x128xf32>
    %get3A_39 = arith.constant 0 : index
    %get3A_40 = arith.constant 0 : index
    %get3A_41 = vector.load %arg11[%get3A_39, %get3A_40] : memref<1x128xf32, #tpu.memory_space<vmem>>, vector<1x128xf32>
    %add3A_42 = vector.broadcast %get3A_41 : vector<1x128xf32> to vector<2000x128xf32>
    %add3A_43 = arith.addf %add3A_38, %add3A_42 : vector<2000x128xf32>
    %logistic3A_44 = arith.negf %add3A_43 : vector<2000x128xf32>
    %logistic3A_45 = math.exp %logistic3A_44 : vector<2000x128xf32>
    %logistic3A_46 = arith.constant 1.000000e+00 : f32
    %logistic3A_47 = vector.broadcast %logistic3A_46 : f32 to vector<2000x128xf32>
    %logistic3A_48 = arith.addf %logistic3A_47, %logistic3A_45 : vector<2000x128xf32>
    %logistic3A_49 = arith.divf %logistic3A_47, %logistic3A_48 : vector<2000x128xf32>
    %get3A_50 = arith.constant 0 : index
    %get3A_51 = arith.constant 0 : index
    %get3A_52 = vector.load %arg8[%get3A_50, %get3A_51] : memref<128x128xf32, #tpu.memory_space<vmem>>, vector<128x128xf32>
    %dot_general3A_53 = arith.constant dense<0.000000e+00> : vector<2000x128xf32>
    %dot_general3A_54 = tpu.matmul %add3A, %get3A_52, %dot_general3A_53 {dimension_numbers = #tpu.dot_dimension_numbers<[1], [0], [0], [1], [0, 0, 1, 1], [], []>, transpose_lhs_hint = false} : vector<2000x128xf32>, vector<128x128xf32>, vector<2000x128xf32> -> vector<2000x128xf32>
    %mul3A = arith.mulf %logistic3A_49, %get3A_7 : vector<2000x128xf32>
    %get3A_55 = arith.constant 0 : index
    %get3A_56 = arith.constant 0 : index
    %get3A_57 = vector.load %arg9[%get3A_55, %get3A_56] : memref<128x128xf32, #tpu.memory_space<vmem>>, vector<128x128xf32>
    %dot_general3A_58 = arith.constant dense<0.000000e+00> : vector<2000x128xf32>
    %dot_general3A_59 = tpu.matmul %mul3A, %get3A_57, %dot_general3A_58 {dimension_numbers = #tpu.dot_dimension_numbers<[1], [0], [0], [1], [0, 0, 1, 1], [], []>, transpose_lhs_hint = false} : vector<2000x128xf32>, vector<128x128xf32>, vector<2000x128xf32> -> vector<2000x128xf32>
    %add3A_60 = arith.addf %dot_general3A_54, %dot_general3A_59 : vector<2000x128xf32>
    %get3A_61 = arith.constant 0 : index
    %get3A_62 = arith.constant 0 : index
    %get3A_63 = vector.load %arg12[%get3A_61, %get3A_62] : memref<1x128xf32, #tpu.memory_space<vmem>>, vector<1x128xf32>
    %add3A_64 = vector.broadcast %get3A_63 : vector<1x128xf32> to vector<2000x128xf32>
    %add3A_65 = arith.addf %add3A_60, %add3A_64 : vector<2000x128xf32>
    %tanh3A = math.tanh %add3A_65 : vector<2000x128xf32>
    %sub3A = arith.constant 1.000000e+00 : f32
    %sub3A_66 = vector.broadcast %sub3A : f32 to vector<2000x128xf32>
    %sub3A_67 = arith.subf %sub3A_66, %logistic3A_27 : vector<2000x128xf32>
    %mul3A_68 = arith.mulf %sub3A_67, %get3A_7 : vector<2000x128xf32>
    %mul3A_69 = arith.mulf %logistic3A_27, %tanh3A : vector<2000x128xf32>
    %add3A_70 = arith.addf %mul3A_68, %mul3A_69 : vector<2000x128xf32>
    %swap3A = arith.constant 0 : index
    %swap3A_71 = arith.constant 0 : index
    %swap3A_72 = vector.load %arg13[%swap3A, %swap3A_71] : memref<2000x128xf32, #tpu.memory_space<vmem>>, vector<2000x128xf32>
    tpu.vector_store %arg13[%swap3A, %swap3A_71], %add3A_70 {strides = array<i32>} : memref<2000x128xf32, #tpu.memory_space<vmem>>, vector<2000x128xf32>,
    return
  }
  func.func @transform_0(%arg0: i32) -> (i32, i32) {
    %c0_i32 = arith.constant 0 : i32
    %c0_i32_0 = arith.constant 0 : i32
    return %arg0, %c0_i32 : i32, i32
  }
  func.func @transform_1(%arg0: i32) -> (i32, i32) {
    %add3A = arith.constant 5 : i32
    %add3A_0 = arith.addi %arg0, %add3A : i32
    %c0_i32 = arith.constant 0 : i32
    %c0_i32_1 = arith.constant 0 : i32
    return %add3A_0, %c0_i32 : i32, i32
  }
  func.func @transform_2(%arg0: i32) -> (i32, i32) {
    %c0_i32 = arith.constant 0 : i32
    %c0_i32_0 = arith.constant 0 : i32
    return %arg0, %c0_i32 : i32, i32
  }
  func.func @transform_3(%arg0: i32) -> (i32, i32) {
    %c0_i32 = arith.constant 0 : i32
    %c0_i32_0 = arith.constant 0 : i32
    %c0_i32_1 = arith.constant 0 : i32
    return %c0_i32, %c0_i32_0 : i32, i32
  }
  func.func @transform_4(%arg0: i32) -> (i32, i32) {
    %c0_i32 = arith.constant 0 : i32
    %c0_i32_0 = arith.constant 0 : i32
    %c0_i32_1 = arith.constant 0 : i32
    return %c0_i32, %c0_i32_0 : i32, i32
  }
  func.func @transform_5(%arg0: i32) -> (i32, i32) {
    %c0_i32 = arith.constant 0 : i32
    %c0_i32_0 = arith.constant 0 : i32
    %c0_i32_1 = arith.constant 0 : i32
    return %c0_i32, %c0_i32_0 : i32, i32
  }
  func.func @transform_6(%arg0: i32) -> (i32, i32) {
    %c0_i32 = arith.constant 0 : i32
    %c0_i32_0 = arith.constant 0 : i32
    %c0_i32_1 = arith.constant 0 : i32
    return %c0_i32, %c0_i32_0 : i32, i32
  }
  func.func @transform_7(%arg0: i32) -> (i32, i32) {
    %c0_i32 = arith.constant 0 : i32
    %c0_i32_0 = arith.constant 0 : i32
    %c0_i32_1 = arith.constant 0 : i32
    return %c0_i32, %c0_i32_0 : i32, i32
  }
  func.func @transform_8(%arg0: i32) -> (i32, i32) {
    %c0_i32 = arith.constant 0 : i32
    %c0_i32_0 = arith.constant 0 : i32
    %c0_i32_1 = arith.constant 0 : i32
    return %c0_i32, %c0_i32_0 : i32, i32
  }
  func.func @transform_9(%arg0: i32) -> (i32, i32) {
    %c0_i32 = arith.constant 0 : i32
    %c0_i32_0 = arith.constant 0 : i32
    %c0_i32_1 = arith.constant 0 : i32
    return %c0_i32, %c0_i32_0 : i32, i32
  }
  func.func @transform_10(%arg0: i32) -> (i32, i32) {
    %c0_i32 = arith.constant 0 : i32
    %c0_i32_0 = arith.constant 0 : i32
    %c0_i32_1 = arith.constant 0 : i32
    return %c0_i32, %c0_i32_0 : i32, i32
  }
  func.func @transform_11(%arg0: i32) -> (i32, i32) {
    %c0_i32 = arith.constant 0 : i32
    %c0_i32_0 = arith.constant 0 : i32
    %c0_i32_1 = arith.constant 0 : i32
    return %c0_i32, %c0_i32_0 : i32, i32
  }
  func.func @transform_12(%arg0: i32) -> (i32, i32) {
    %c0_i32 = arith.constant 0 : i32
    %c0_i32_0 = arith.constant 0 : i32
    return %arg0, %c0_i32 : i32, i32
  }
}

</mosaic_0001>

<sc_bundles>
// kernel: kernel.6.cloned.1.call-start
scs
__scs_entry_jumppad:
0x0: {  	(pc) =	sbr.rel $0x88, $3  }
0x1: {  	(tag) =	ssettag $0x0;
	lr =	simm.s32 $0x1  }
0x2: {  	[smem:$0x3F96] =	sst lr;
	_ =	strace $0xD0000000  }
0x3: {  	_ = 	snop  }
0x4: {  	_ = 	snop  }
0x5: {  	_ = 	snop  }
0x6: {  	_ = 	snop  }
0x7: {  	_ = 	snop  }
__scs_overlays_trampoline_lowered:
0x8: {  	[smem:$0x3FA5] =	sst s0  }
0x9: {  	[smem:$0x3FA6] =	sst s1  }
0xa: {  	[smem:$0x3FA7] =	sst s2  }
0xb: {  	[smem:$0x3FA8] =	sst s3  }
0xc: {  	[smem:$0x3FA9] =	sst s4  }
0xd: {  	[smem:$0x3FAA] =	sst s5  }
0xe: {  	[smem:$0x3FAB] =	sst s6  }
0xf: {  	[smem:$0x3FAC] =	sst s7  }
0x10: {  	[smem:$0x3FAD] =	sst s8  }
0x11: {  	[smem:$0x3FAE] =	sst s9;
	s0 =	simm.s32 @!p0 $0x0  }
0x12: {  	s1 =	sld [smem:$0x3F94];
	s0 =	simm.s32 @p0 $0x1  }
0x13: {  	[smem:$0x3FAF] =	sst s0;
	s0 =	simm.s32 @!p1 $0x0  }
0x14: {  	s2 =	sld [smem:$0x3F93];
	s0 =	simm.s32 @p1 $0x1  }
0x15: {  	[smem:$0x3FB0] =	sst s0;
	s0 =	simm.s32 @!p2 $0x0  }
0x16: {  	s3 =	sld [smem:$0x3FDB];
	s0 =	simm.s32 @p2 $0x1  }
0x17: {  	s4 =	simm.s32 $0x1BF5;
	[smem:$0x3FB2] =	sst s0  }
0x18: {  	s0 =	sld [smem:$0x3F95];
	_ =	swait.ge [sflag:s4], $0x0  }
0x19: {  	s7 =	sld [smem:$0x3F96]  }
0x1a: {  	s8 =	sadd.s32 $0xFFFFE003, lr  }
0x1b: {  	s9 =	sadd.s32 $0xFFFFFEF7, lr;
	s5 =	simm.s32 $0xFFFFFFFF;
	p2 =	slt.u32 s8, $0xFFFFF086  }
0x1c: {  	p1 =	slt.u32 s9, $0xF7A;
	s5 =	simm.s32 @!p2 $0x0  }
0x1d: {  	s5 =	simm.s32 @p1 $0x1;
	p0 =	seq.s32 s7, s2  }
0x1e: {  	s7 =	smul.u32 @!p0 $0xF7A, s2;
	p2 =	seq.s32 @!p0 s5, $0x0  }
0x1f: {  	s9 =	smul.u32 $0xF7A, s1;
	s8 =	simm.s32 @!p0 $0x1BF5;
	p2 =	por !p2, p0  }
0x20: {  	[sflag:s8] =	ssyncset.s32 @!p0 $0xFFFFF086;
	s6 =	sadd.s32 @!p0 s3, s7;
	s7 =	simm.s32 @!p0 $0x108  }
0x21: {  	s3 =	sadd.s32 s3, s9;
	s6 =	sadd.s32 @!p0 $0x88, s6;
	s7 =	simm.s32 @p2 $0x1082  }
0x22: {  	[simem:s7], [sflag:s8] =	dma.local @!p0 [hbm:s6], $0xF7A  }
0x23: {  	s9 =	sor.u32 $0xD0000000, s2;
	s6 =	simm.s32 $0x108;
	_ =	swait.ge @!p0 [sflag:s8], $0x0  }
0x24: {  	s3 =	sadd.s32 $0x88, s3;
	s6 =	simm.s32 @!p1 $0x1082;
	[sflag:s4] =	ssyncset.s32 $0xFFFFF086  }
0x25: {  	[simem:s6], [sflag:s4] =	dma.local [hbm:s3], $0xF7A  }
0x26: {  	[smem:$0x3F96] =	sst s1;
	(tag) =	ssettag s2;
	_ =	strace s9  }
0x27: {  	s1 =	sld [smem:$0x3FA6]  }
0x28: {  	s2 =	sld [smem:$0x3FA7]  }
0x29: {  	s4 =	sld [smem:$0x3FA9]  }
0x2a: {  	p0 =	seq.s32 s5, $0x0;
	s5 =	sld [smem:$0x3FAA]  }
0x2b: {  	s6 =	sld [smem:$0x3FAB]  }
0x2c: {  	s7 =	sld [smem:$0x3FAC]  }
0x2d: {  	s3 =	simm.s32 $0x108;
	s8 =	sld [smem:$0x3FAD]  }
0x2e: {  	s3 =	simm.s32 @!p0 $0x1082;
	s9 =	sld [smem:$0x3FAE]  }
0x2f: {  	lr =	sadd.s32 s0, s3;
	s0 =	sld [smem:$0x3FA5]  }
0x30: {  	s3 =	sld [smem:$0x3FA8]  }
0x31: {  	[smem:$0x3FB1] =	sst s10  }
0x32: {  	s10 =	sld [smem:$0x3FAF];
	_ =	sdelay $0x3  }
0x33: {  	p0 =	seq.s32 s10, $0x1;
	s10 =	sld [smem:$0x3FB1];
	_ =	sdelay $0x3  }
0x34: {  	[smem:$0x3FB1] =	sst s10  }
0x35: {  	s10 =	sld [smem:$0x3FB0];
	_ =	sdelay $0x3  }
0x36: {  	p1 =	seq.s32 s10, $0x1;
	s10 =	sld [smem:$0x3FB1];
	_ =	sdelay $0x3  }
0x37: {  	[smem:$0x3FB1] =	sst s10  }
0x38: {  	s10 =	sld [smem:$0x3FB2]  }
0x39: {  	_ = 	snop;
	(pc) =	sbr.ind lr, $3  }
0x3a: {  	_ = 	snop  }
0x3b: {  	_ = 	snop  }
0x3c: {  	p2 =	seq.s32 s10, $0x1;
	s10 =	sld [smem:$0x3FB1]  }
0x3d: {  	_ =	shalt  }
0x3e: {  	_ =	shalt  }
0x3f: {  	_ =	shalt  }
0x40: {  	_ =	shalt  }
0x41: {  	_ =	shalt  }
0x42: {  	_ =	shalt  }
0x43: {  	_ =	shalt  }
0x44: {  	_ =	shalt  }
0x45: {  	_ =	shalt  }
0x46: {  	_ =	shalt  }
0x47: {  	_ =	shalt  }
0x48: {  	_ =	shalt  }
0x49: {  	_ =	shalt  }
0x4a: {  	_ =	shalt  }
0x4b: {  	_ =	shalt  }
0x4c: {  	_ =	shalt  }
0x4d: {  	_ =	shalt  }
0x4e: {  	_ =	shalt  }
0x4f: {  	_ =	shalt  }
0x50: {  	_ =	shalt  }
0x51: {  	_ =	shalt  }
0x52: {  	_ =	shalt  }
0x53: {  	_ =	shalt  }
0x54: {  	_ =	shalt  }
0x55: {  	_ =	shalt  }
0x56: {  	_ =	shalt  }
0x57: {  	_ =	shalt  }
0x58: {  	_ =	shalt  }
0x59: {  	_ =	shalt  }
0x5a: {  	_ =	shalt  }
0x5b: {  	_ =	shalt  }
0x5c: {  	_ =	shalt  }
0x5d: {  	_ =	shalt  }
0x5e: {  	_ =	shalt  }
0x5f: {  	_ =	shalt  }
0x60: {  	_ =	shalt  }
0x61: {  	_ =	shalt  }
0x62: {  	_ =	shalt  }
0x63: {  	_ =	shalt  }
0x64: {  	_ =	shalt  }
0x65: {  	_ =	shalt  }
0x66: {  	_ =	shalt  }
0x67: {  	_ =	shalt  }
0x68: {  	_ =	shalt  }
0x69: {  	_ =	shalt  }
0x6a: {  	_ =	shalt  }
0x6b: {  	_ =	shalt  }
0x6c: {  	_ =	shalt  }
0x6d: {  	_ =	shalt  }
0x6e: {  	_ =	shalt  }
0x6f: {  	_ =	shalt  }
0x70: {  	_ =	shalt  }
0x71: {  	_ =	shalt  }
0x72: {  	_ =	shalt  }
0x73: {  	_ =	shalt  }
0x74: {  	_ =	shalt  }
0x75: {  	_ =	shalt  }
0x76: {  	_ =	shalt  }
0x77: {  	_ =	shalt  }
0x78: {  	_ =	shalt  }
0x79: {  	_ =	shalt  }
0x7a: {  	_ =	shalt  }
0x7b: {  	_ =	shalt  }
0x7c: {  	_ =	shalt  }
0x7d: {  	_ =	shalt  }
0x7e: {  	_ =	shalt  }
0x7f: {  	_ =	shalt  }
0x80: {  	_ =	shalt  }
0x81: {  	_ =	shalt  }
0x82: {  	_ =	shalt  }
0x83: {  	_ =	shalt  }
0x84: {  	_ =	shalt  }
0x85: {  	_ =	shalt  }
0x86: {  	_ =	shalt  }
0x87: {  	_ =	shalt  }
.Lfunc_end0:
.L_simem_size_0:
called_computation_lowered:
.L_overlay_start_0:
0x88: {  	s2 =	sld [smem:$0x3FD9]  }
0x89: {  	s3 =	sld [smem:$0x3FFE];
	_ =	sdelay $0x1  }
0x8a: {  	s1 =	srdreg.scid  }
0x8b: {  	s0 =	sand.u32 $0x1, s1  }
0x8c: {  	s17 =	sshll.u32 s0, $0xA;
	s2 =	sadd.s32 s3, s2  }
0x8d: {  	s2 =	sadd.s32 s2, s17  }
0x8e: {  	[smem:$0x3FBD] =	sst s2  }
0x8f: {  	_ = 	snop  }
0x90: {  	s2 =	sld [smem:$0x3FD0];
	(tm) =	ssettm $0x1  }
0x91: {  	s18 =	sld [smem:$0x3FFB];
	_ =	sdelay $0x3  }
0x92: {  	_ =	strace s18  }
0x93: {  	s3 =	sld [smem:$0x3FFC];
	_ =	sdelay $0x3  }
0x94: {  	_ =	strace s3  }
0x95: {  	s3 =	sld [smem:$0x3FFD];
	_ =	sdelay $0x3  }
0x96: {  	_ =	strace s3  }
0x97: {  	_ =	strace $0x8FFFFFFF  }
0x98: {  	s19 =	sld [smem:$0x3FDB];
	_ =	sdelay $0x1  }
0x99: {  	s4 =	simm.s32 $_scs_section_size  }
0x9a: {  	s5 =	simm.s32 $_size__tile_overlayer_lowered;
	s6 =	simm.s32 $_tile_overlayer_lowered  }
0x9b: {  	s22 =	simm.s32 $0x1BFF;
	s21 =	sshll.u32 s6, $0x1;
	s3 =	sadd.s32 s4, s19  }
0x9c: {  	s7 =	simm.s32 $0x0;
	s20 =	sshll.u32 s5, $0x1;
	s5 =	sadd.s32 s21, s3  }
0x9d: {  	[timem:s7], [sflag:s22] =	dma.local [hbm:s5], s20  }
0x9e: {  	_ =	swait.ge [sflag:s22], s20  }
0x9f: {  	s4 =	ssub.s32 $0x0, s20;
	[sflag:s22] =	ssyncset.done $0x0  }
0xa0: {  	[sflag:s22] =	ssyncadd.s32 s4;
	_ =	sdelay $0x1  }
0xa1: {  	s23 =	simm.s32 $0x1B8B  }
0xa2: {  	_ =	swait.ge [sflag:s23], $0x1  }
0xa3: {  	[sflag:s23] =	ssyncset.done $0x0  }
0xa4: {  	s25 =	simm.s32 $0x1B8E;
	s24 =	sld [smem:$0x3FFE];
	[sflag:s23] =	ssyncadd.s32 $0xFFFFFFFF  }
0xa5: {  	s26 =	simm.s32 $execute0_lowered;
	[smem:$0x3FD2] =	sst s25  }
0xa6: {  	s5 =	sshll.u32 s26, $0x1;
	_ =	strace $0x80000046;
	[dreg:$0x1] =	wrdreg $0xFFFFFFFF  }
0xa7: {  	s28 =	simm.s32 $_size_execute0_lowered;
	s3 =	sadd.s32 s3, s5;
	[dreg:$0x0] =	wrdreg $0x0  }
0xa8: {  	s5 =	sshll.u32 s28, $0x1;
	[dreg:$0x2] =	wrdreg s3  }
0xa9: {  	[dreg:$0x3] =	wrdreg s5  }
0xaa: {  	[dreg:$0x4] =	wrdreg $0xC0  }
0xab: {  	_ =	task [dreg:s7], $0x5FFFF  }
0xac: {  	[dreg:$0x1] =	wrdreg $0xFFFFFFFF  }
0xad: {  	[dreg:$0x0] =	wrdreg $0x60  }
0xae: {  	[dreg:$0x2] =	wrdreg s2  }
0xaf: {  	[dreg:$0x3] =	wrdreg s24  }
0xb0: {  	[dreg:$0x4] =	wrdreg $0xC2000  }
0xb1: {  	[dreg:$0x5] =	wrdreg $0x9  }
0xb2: {  	_ =	task.clear_ibuf [dreg:s7], $0x6FFFF;
	_ =	strace $0x90000046  }
0xb3: {  	s29 =	simm.s32 $0x9;
	_ =	strace $0x80000048  }
0xb4: {  	_ =	swait.ge [sflag:s29], $0x1  }
0xb5: {  	[sflag:s29] =	ssyncadd.s32 $0xFFFFFFFF  }
0xb6: {  	_ =	strace $0x90000048  }
0xb7: {  	_ =	sfence  }
0xb8: {  	s30 =	sld [smem:$0x0];
	_ =	sdelay $0x2  }
0xb9: {  	s31 =	sshll.u32 s1, $0xD;
	s1 =	sshrl.u32 s1, $0x2  }
0xba: {  	s3 =	sand.u32 $0x4000, s31;
	s1 =	sadd.s32 s1, s30  }
0xbb: {  	s0 =	sor.u32 s3, s0;
	s1 =	sshll.u32 s1, $0x11  }
0xbc: {  	s0 =	sor.u32 s1, s0  }
0xbd: {  	s0 =	sadd.s32 $0x8F2B, s0  }
0xbe: {  	[sflag:s0] =	ssyncadd.remote.s32 $0x1  }
0xbf: {  	_ =	sfence.sel $0xFFFF  }
0xc0: {  	[dreg:$0x0] =	wrdreg $0xFFFFFFFF;
	(pc) =	sbr.abs _section_cstart, $3  }
0xc1: {  	[dreg:$0x1] =	wrdreg $0xFFFFFFFF  }
0xc2: {  	_ =	task.clear_ibuf [dreg:s7], $0x2FFFF;
	_ =	strace $0x9FFFFFFF  }
0xc3: {  	(tm) =	ssettm $0x7FFFFFFF  }
tec
execute0_lowered:
.L_overlay_start_1:
0x0: {  	(tag) =	ssettag $0x1  }
0x1: {  	s1 =	rddreg [dreg:$0x0]  }
0x2: {  	s0 =	rddreg [dreg:$0x1]  }
0x3: {  	s2 =	srdreg.scid;
	s10 =	stileid.u32  }
0x4: {  	s3 =	rddreg [dreg:$0x2];
	s4 =	simm.s32 $0x0;
	s20 =	simm.s32 $0x200  }
0x5: {  	s21 =	simm.s32 $0x5;
	s23 =	simm.s32 $0x80;
	s28 =	simm.s32 $0x2  }
0x6: {  	s29 =	simm.s32 $0x3;
	s30 =	simm.s32 $0x4;
	s31 =	simm.s32 $0x0  }
0x7: {  	s2 =	sand.u32 $0x1, s2;
	s5 =	smul.u32 $0x278, s10;
	[smem:$0x7FF] =	sst s4  }
0x8: {  	s6 =	smul.u32 $0x2710, s2;
	_ =	strace $0x80000047;
	s24 =	sshll.u32 s2, $0x4  }
0x9: {  	s2 =	ssub.s32 $0x2, s2;
	s8 =	smin.u32 s5, $0x2498;
	s13 =	sor.u32 s10, s24  }
0xa: {  	s5 =	sadd.s32 $0x16000, s0;
	s25 =	sshrl.u32 s2, $0x1;
	s12 =	smul.u32 $0x4F00, s13  }
0xb: {  	s24 =	simm.s32 $0x4200;
	s7 =	sadd.s32 s6, s8;
	s10 =	smul.u32 $0x4F, s13  }
0xc: {  	s6 =	sadd.s32 $0x9D4400, s0;
	s8 =	sshll.u32 s8, $0x7;
	s14 =	smul.u32 $0x9E0, s13  }
0xd: {  	s2 =	ssub.s32 s2, s25;
	s16 =	smul.u32 $0x27800, s13;
	s25 =	simm.s32 $0x8200  }
0xe: {  	s9 =	sshll.u32 s7, $0x4;
	s7 =	sadd.s32 $0x2400, s0;
	s8 =	sadd.s32 s8, s3  }
0xf: {  	s19 =	smax.u32 s2, $0x1;
	s0 =	sadd.s32 s9, s0;
	s26 =	sadd.s32 $0x4000, s8  }
0x10: {  	s11 =	sadd.s32 $0x8000, s8;
	s15 =	sshrl.u32 s12, $0x3;
	s12 =	sadd.s32 $0xC000, s8  }
0x11: {  	s13 =	sadd.s32 $0x10000, s8;
	s14 =	sadd.s32 s7, s14;
	s16 =	sadd.s32 s6, s16  }
0x12: {  	s17 =	sadd.s32 $0x2, s10;
	[dreg:$0x4] =	wrdreg s26;
	s15 =	sadd.s32 s7, s15  }
0x13: {  	v0 =	vimm.f32 $0.0e+00;
	s18 =	sadd.s32 $0x3D200, s0;
	s26 =	simm.s32 $0x1;
	s15 =	sadd.s32 $0x20, s15  }
.LBB2_1:
0x14: {  	s0 =	simm.s32 $0x0;
	s2 =	simm.s32 $0x200  }
.LBB2_2:
0x15: {  	p0 =	sne.s32 s2, $0xFE00;
	[tilespmem:s0+$0x270] =	vst v0  }
0x16: {  	[tilespmem:s0+$0x200] =	vst v0  }
0x17: {  	[tilespmem:s0+$0x210] =	vst v0  }
.Ltmp0:
0x18: {  	[tilespmem:s0+$0x220] =	vst v0;
	(pc) =	sbr.rel @p0 .LBB2_2-.Ltmp0, $4  }
0x19: {  	[tilespmem:s0+$0x230] =	vst v0  }
0x1a: {  	[tilespmem:s0+$0x240] =	vst v0  }
0x1b: {  	[tilespmem:s0+$0x250] =	vst v0  }
0x1c: {  	[tilespmem:s0+$0x260] =	vst v0;
	s0 =	sshra.s32 s2, $0x2;
	s2 =	sadd.s32 $0x200, s2  }
0x1d: {  	[tilespmem:s0+$0x270] =	vst v0  }
0x1e: {  	[tilespmem:s0+$0x200] =	vst v0  }
0x1f: {  	[tilespmem:s0+$0x210] =	vst v0  }
0x20: {  	[tilespmem:s0+$0x220] =	vst v0  }
0x21: {  	[tilespmem:s0+$0x230] =	vst v0  }
0x22: {  	[tilespmem:s0+$0x240] =	vst v0  }
0x23: {  	[tilespmem:s0+$0x250] =	vst v0  }
0x24: {  	[tilespmem:s0+$0x260] =	vst v0  }
0x25: {  	[spmem:s8] =	stream.linear.scatter [tilespmem:s20], [sflag:$0x5], $0x4000, $0x38;
	[tilespmem:$0x1FA80] =	vst v63  }
0x26: {  	_ =	swait.ge [sflag:s21], $0x4000  }
0x27: {  	[sflag:s21] =	ssyncset.done $0x0  }
0x28: {  	s9 =	rddreg [dreg:$0x4];
	[sflag:s21] =	ssyncadd.s32 $0xFFFFC000  }
0x29: {  	[spmem:s9] =	stream.linear.scatter [tilespmem:s20], [sflag:$0x5], $0x4000, $0x38;
	[tilespmem:$0x1FA80] =	vst v63  }
0x2a: {  	_ =	swait.ge [sflag:s21], $0x4000  }
0x2b: {  	[sflag:s21] =	ssyncset.done $0x0  }
0x2c: {  	[sflag:s21] =	ssyncadd.s32 $0xFFFFC000  }
0x2d: {  	[spmem:s11] =	stream.linear.scatter [tilespmem:s20], [sflag:$0x5], $0x4000, $0x38;
	[tilespmem:$0x1FA80] =	vst v63  }
0x2e: {  	_ =	swait.ge [sflag:s21], $0x4000  }
0x2f: {  	[sflag:s21] =	ssyncset.done $0x0  }
0x30: {  	[sflag:s21] =	ssyncadd.s32 $0xFFFFC000  }
0x31: {  	[spmem:s12] =	stream.linear.scatter [tilespmem:s20], [sflag:$0x5], $0x4000, $0x38;
	[tilespmem:$0x1FA80] =	vst v63  }
0x32: {  	_ =	swait.ge [sflag:s21], $0x4000  }
0x33: {  	[sflag:s21] =	ssyncset.done $0x0  }
0x34: {  	[sflag:s21] =	ssyncadd.s32 $0xFFFFC000  }
0x35: {  	[spmem:s13] =	stream.linear.scatter [tilespmem:s20], [sflag:$0x5], $0x3C00, $0x38;
	[tilespmem:$0x1FA80] =	vst v63  }
0x36: {  	_ =	swait.ge [sflag:s21], $0x3C00  }
0x37: {  	[sflag:s21] =	ssyncset.done $0x0  }
0x38: {  	[sflag:s21] =	ssyncadd.s32 $0xFFFFC400  }
0x39: {  	s2 =	simm.s32 $0x0;
	[bflag:$0x0] =	sbarrier.arrive $0xFFFF  }
0x3a: {  	[tilespmem:s2], [sflag:$0x5] =	stream.linear.gather [hbm4b:s14+s2], $0x100, $0x38;
	[tilespmem:$0x1FA80] =	vst v63  }
0x3b: {  	_ =	swait.ge [sflag:s21], $0x100  }
0x3c: {  	[sflag:s21] =	ssyncset.done $0x0  }
0x3d: {  	s22 =	simm.s32 $0x100;
	[sflag:s21] =	ssyncadd.s32 $0xFFFFFF00  }
0x3e: {  	[tilespmem:s22], [sflag:$0x4] =	stream.linear.gather [hbm4b:s15+s2], $0x100, $0x38;
	[tilespmem:$0x1FA80] =	vst v63  }
0x3f: {  	_ = 	snop  }
0x40: {  	[tilespmem:s20], [sflag:$0x1] =	stream.indirect.gather [hbm4b:s1+s23], $0x80, s2, s23, $0xb8;
	[tilespmem:$0x1FA80] =	vst v63  }
0x41: {  	_ = 	snop  }
0x42: {  	[tilespmem:s24], [sflag:$0x2] =	stream.indirect.gather [hbm4b:s5+s23], $0x80, s23, s23, $0xb8;
	[tilespmem:$0x1FA80] =	vst v63  }
0x43: {  	_ = 	snop  }
0x44: {  	[tilespmem:s25], [sflag:$0x3] =	stream.linear.gather [hbm4b:s16+s2], $0x4000, $0x38;
	[tilespmem:$0x1FA80] =	vst v63  }
.LBB2_4:
0x45: {  	_ =	swait.ge [sflag:s26], $0x4000  }
0x46: {  	[sflag:s26] =	ssyncset.done $0x0  }
0x47: {  	[sflag:s26] =	ssyncadd.s32 $0xFFFFC000  }
0x48: {  	_ =	swait.ge [sflag:s28], $0x4000  }
0x49: {  	[sflag:s28] =	ssyncset.done $0x0  }
0x4a: {  	[sflag:s28] =	ssyncadd.s32 $0xFFFFC000  }
0x4b: {  	_ =	swait.ge [sflag:s29], $0x4000  }
0x4c: {  	[sflag:s29] =	ssyncset.done $0x0  }
0x4d: {  	[sflag:s29] =	ssyncadd.s32 $0xFFFFC000  }
0x4e: {  	_ =	swait.ge [sflag:s30], $0x100  }
0x4f: {  	[sflag:s30] =	ssyncset.done $0x0  }
0x50: {  	s0 =	simm.s32 $0x0;
	[sflag:s30] =	ssyncadd.s32 $0xFFFFFF00  }
0x51: {  	v13 =	vld [tilespmem:s0+$0x200]  }
0x52: {  	v18 =	vld [tilespmem:s0+$0x4200]  }
0x53: {  	v20 =	vld [tilespmem:s0+$0x210]  }
0x54: {  	v21 =	vld [tilespmem:s0+$0x4210]  }
0x55: {  	v6 =	vld [tilespmem:s0+$0x220]  }
0x56: {  	v10 =	vld [tilespmem:s0+$0x4220]  }
0x57: {  	v8 =	vld [tilespmem:s0+$0x230]  }
0x58: {  	v12 =	vld [tilespmem:s0+$0x4230]  }
0x59: {  	v9 =	vld [tilespmem:s0+$0x240]  }
0x5a: {  	v11 =	vld [tilespmem:s0+$0x4240]  }
0x5b: {  	v5 =	vld [tilespmem:s0+$0x250]  }
0x5c: {  	v7 =	vld [tilespmem:s0+$0x4250]  }
0x5d: {  	v3 =	vld [tilespmem:s0+$0x260]  }
0x5e: {  	v4 =	vld [tilespmem:s0+$0x4260]  }
0x5f: {  	v1 =	vld [tilespmem:s0+$0x270]  }
0x60: {  	v2 =	vld [tilespmem:s0+$0x4270]  }
0x61: {  	v17 =	vld [tilespmem:s0+$0x8200]  }
0x62: {  	v16 =	vld [tilespmem:s0+$0x8210]  }
0x63: {  	v15 =	vld [tilespmem:s0+$0x8220]  }
0x64: {  	v14 =	vld [tilespmem:s0+$0x8230];
	v19 =	vadd.f32 v18, v13  }
0x65: {  	s22 =	simm.s32 $0x200;
	v18 =	vadd.f32 v21, v20;
	v13 =	vld [tilespmem:s0+$0x8240]  }
.LBB2_5:
0x66: {  	p0 =	sne.s32 s22, $0xFE00;
	v17 =	vadd.f32 v17, v19;
	v6 =	vadd.f32 v10, v6;
	v10 =	vld [tilespmem:s0+$0x8250]  }
0x67: {  	v8 =	vadd.f32 v12, v8;
	v16 =	vadd.f32 v16, v18;
	v12 =	vld [tilespmem:s0+$0x8260]  }
0x68: {  	s9 =	sshra.s32 s22, $0x2;
	v9 =	vadd.f32 v11, v9;
	v17 =	vmax.f32 v17, $0.0e+00;
	v6 =	vadd.f32 v15, v6;
	v11 =	vld [tilespmem:s0+$0x8270]  }
0x69: {  	v5 =	vadd.f32 v7, v5;
	v18 =	vld [tilespmem:s9+$0x200];
	[tilespmem:s0+$0x8200] =	vst v17;
	v15 =	vmax.f32 v16, $0.0e+00;
	v8 =	vadd.f32 v14, v8  }
0x6a: {  	v3 =	vadd.f32 v4, v3;
	v14 =	vld [tilespmem:s9+$0x4200];
	[tilespmem:s0+$0x8210] =	vst v15;
	v6 =	vmax.f32 v6, $0.0e+00;
	v7 =	vadd.f32 v13, v9  }
0x6b: {  	v1 =	vadd.f32 v2, v1;
	v13 =	vld [tilespmem:s9+$0x210];
	[tilespmem:s0+$0x8220] =	vst v6;
	v4 =	vmax.f32 v8, $0.0e+00;
	v5 =	vadd.f32 v10, v5  }
0x6c: {  	v20 =	vld [tilespmem:s9+$0x4210];
	[tilespmem:s0+$0x8230] =	vst v4;
	v2 =	vmax.f32 v7, $0.0e+00;
	v3 =	vadd.f32 v12, v3  }
0x6d: {  	v6 =	vld [tilespmem:s9+$0x220];
	[tilespmem:s0+$0x8240] =	vst v2;
	v2 =	vmax.f32 v5, $0.0e+00;
	v1 =	vadd.f32 v11, v1  }
0x6e: {  	v10 =	vld [tilespmem:s9+$0x4220];
	[tilespmem:s0+$0x8250] =	vst v2;
	v2 =	vmax.f32 v3, $0.0e+00  }
0x6f: {  	v8 =	vld [tilespmem:s9+$0x230];
	[tilespmem:s0+$0x8260] =	vst v2;
	v1 =	vmax.f32 v1, $0.0e+00  }
0x70: {  	v12 =	vld [tilespmem:s9+$0x4230];
	[tilespmem:s0+$0x8270] =	vst v1;
	s0 =	smov.u32 s9  }
0x71: {  	v9 =	vld [tilespmem:s0+$0x240]  }
0x72: {  	v11 =	vld [tilespmem:s0+$0x4240]  }
0x73: {  	v5 =	vld [tilespmem:s0+$0x250]  }
0x74: {  	v7 =	vld [tilespmem:s0+$0x4250]  }
0x75: {  	v3 =	vld [tilespmem:s0+$0x260]  }
0x76: {  	v4 =	vld [tilespmem:s0+$0x4260]  }
0x77: {  	v1 =	vld [tilespmem:s0+$0x270]  }
0x78: {  	v2 =	vld [tilespmem:s0+$0x4270]  }
.Ltmp1:
0x79: {  	v17 =	vld [tilespmem:s0+$0x8200];
	(pc) =	sbr.rel @p0 .LBB2_5-.Ltmp1, $4  }
0x7a: {  	v16 =	vld [tilespmem:s0+$0x8210]  }
0x7b: {  	v15 =	vld [tilespmem:s0+$0x8220]  }
0x7c: {  	v19 =	vadd.f32 v14, v18;
	v14 =	vld [tilespmem:s0+$0x8230]  }
0x7d: {  	s22 =	sadd.s32 $0x200, s22;
	v18 =	vadd.f32 v20, v13;
	v13 =	vld [tilespmem:s0+$0x8240]  }
0x7e: {  	v17 =	vadd.f32 v17, v19;
	v6 =	vadd.f32 v10, v6;
	v58 =	vld [tilespmem:s0+$0x8250]  }
0x7f: {  	v8 =	vadd.f32 v12, v8;
	v60 =	vld [tilespmem:s0+$0x8270];
	v16 =	vadd.f32 v16, v18  }
0x80: {  	v59 =	vld [tilespmem:s0+$0x8260];
	v9 =	vadd.f32 v11, v9;
	v17 =	vmax.f32 v17, $0.0e+00;
	v6 =	vadd.f32 v15, v6  }
0x81: {  	v5 =	vadd.f32 v7, v5;
	[tilespmem:s0+$0x8200] =	vst v17;
	v61 =	vmax.f32 v16, $0.0e+00;
	v8 =	vadd.f32 v14, v8  }
0x82: {  	v1 =	vadd.f32 v2, v1;
	[tilespmem:s0+$0x8210] =	vst v61;
	v6 =	vmax.f32 v6, $0.0e+00;
	v62 =	vadd.f32 v13, v9  }
0x83: {  	v3 =	vadd.f32 v4, v3;
	[tilespmem:s0+$0x8220] =	vst v6;
	v63 =	vmax.f32 v8, $0.0e+00;
	v5 =	vadd.f32 v58, v5  }
0x84: {  	v1 =	vadd.f32 v60, v1;
	[tilespmem:s0+$0x8230] =	vst v63;
	v2 =	vmax.f32 v62, $0.0e+00  }
0x85: {  	v3 =	vadd.f32 v59, v3;
	[tilespmem:s0+$0x8240] =	vst v2;
	v2 =	vmax.f32 v5, $0.0e+00  }
0x86: {  	s9 =	sadd.s32 $0x1, s2;
	v1 =	vmax.f32 v1, $0.0e+00;
	[tilespmem:s0+$0x8250] =	vst v2  }
0x87: {  	s22 =	sshll.u32 s9, $0x8;
	v2 =	vmax.f32 v3, $0.0e+00;
	[tilespmem:s0+$0x8270] =	vst v1  }
0x88: {  	s22 =	sand.u32 $0x100, s22;
	[tilespmem:s0+$0x8260] =	vst v2  }
0x89: {  	[tilespmem:s20], [sflag:$0x1] =	stream.indirect.gather [hbm4b:s1+s23], $0x80, s22, s23, $0xb8;
	[tilespmem:$0x1FA80] =	vst v63  }
0x8a: {  	s0 =	sor.u32 $0x80, s22;
	s22 =	sshll.u32 s2, $0x8  }
0x8b: {  	[tilespmem:s24], [sflag:$0x2] =	stream.indirect.gather [hbm4b:s5+s23], $0x80, s0, s23, $0xb8;
	[tilespmem:$0x1FA80] =	vst v63  }
0x8c: {  	s0 =	sand.u32 $0x100, s22  }
0x8d: {  	s22 =	sor.u32 $0x80, s0  }
0x8e: {  	[spmem:s3] =	stream.indirect.scatter.add.f32 [tilespmem:s25], [sflag:$0x5], $0x80, s22, s23, $0xb8;
	[tilespmem:$0x1FA80] =	vst v63  }
0x8f: {  	p0 =	slt.s32 s9, $0x4E;
	s22 =	smov.u32 s9  }
0x90: {  	s22 =	simm.s32 @!p0 $0x4E;
	_ =	swait.ge [sflag:s21], $0x4000;
	p0 =	slt.s32 s2, $0x4C  }
0x91: {  	s22 =	sadd.s32 s10, s22;
	[sflag:s21] =	ssyncset.done $0x0;
	s2 =	simm.s32 @!p0 $0x4C  }
0x92: {  	p0 =	sne.s32 s9, $0x4F;
	s22 =	sshll.u32 s22, $0xB;
	s2 =	sadd.s32 s2, s17  }
0x93: {  	[sflag:s21] =	ssyncadd.s32 $0xFFFFC000;
	s22 =	sand.u32 $0x1FFFF800, s22;
	s2 =	sshll.u32 s2, $0x5  }
.Ltmp2:
0x94: {  	s22 =	sadd.s32 s6, s22;
	s2 =	sand.u32 $0x1FFFFFE0, s2;
	(pc) =	sbr.rel @p0 .LBB2_4-.Ltmp2, $4  }
0x95: {  	[tilespmem:s25], [sflag:$0x3] =	stream.linear.gather [hbm4b:s22+s4], $0x4000, $0x38;
	[tilespmem:$0x1FA80] =	vst v63  }
0x96: {  	s2 =	sadd.s32 s7, s2  }
0x97: {  	[tilespmem:s0], [sflag:$0x4] =	stream.linear.gather [hbm4b:s2+s4], $0x100, $0x38;
	[tilespmem:$0x1FA80] =	vst v63  }
0x98: {  	s2 =	smov.u32 s9  }
0x99: {  	_ =	swait.ge [sflag:s26], $0x4000  }
0x9a: {  	[sflag:s26] =	ssyncset.done $0x0  }
0x9b: {  	[sflag:s26] =	ssyncadd.s32 $0xFFFFC000  }
0x9c: {  	_ =	swait.ge [sflag:s28], $0x4000  }
0x9d: {  	[sflag:s28] =	ssyncset.done $0x0  }
0x9e: {  	[sflag:s28] =	ssyncadd.s32 $0xFFFFC000  }
0x9f: {  	_ =	swait.ge [sflag:s29], $0x4000  }
0xa0: {  	[sflag:s29] =	ssyncset.done $0x0  }
0xa1: {  	[sflag:s29] =	ssyncadd.s32 $0xFFFFC000  }
0xa2: {  	s0 =	stileid.u32;
	_ =	swait.ge [sflag:s30], $0x100  }
0xa3: {  	s2 =	sshrl.u32 s8, $0x3;
	s31 =	sadd.s32 $0x1, s31;
	[sflag:s30] =	ssyncset.done $0x0  }
0xa4: {  	s0 =	sshll.u32 s0, $0x6;
	p0 =	sne.s32 s31, s19;
	[sflag:s30] =	ssyncadd.s32 $0xFFFFFF00  }
.Ltmp3:
0xa5: {  	s0 =	sor.u32 $0x1C05, s0;
	[bflag:$0x0] =	sbarrier.arrive $0xFFFF;
	(pc) =	sbr.rel @p0 .LBB2_1-.Ltmp3, $4  }
0xa6: {  	[hbm:s18], [sflag:s0] =	dma.local [spmem:s2], $0x2780  }
0xa7: {  	_ =	swait.ge [sflag:s21], $0x2780  }
0xa8: {  	[sflag:s21] =	ssyncset.done $0x0  }
0xa9: {  	[sflag:s21] =	ssyncadd.s32 $0xFFFFD880  }
0xaa: {  	_ =	sfence.sel $0x180000  }
0xab: {  	[bflag:$0x0] =	sbarrier.arrive $0xFFFF  }
0xac: {  	_ =	strace $0x90000047  }
0xad: {  	s0 =	stileid.u32;
	[bflag:$0x2] =	sbarrier.arrive $0xFFFF  }
0xae: {  	p0 =	sne.s32 s0, $0x0;
	s0 =	rddreg [dreg:$0x3]  }
0xaf: {  	s0 =	sadd.s32 @!p0 $0x100000, s0  }
0xb0: {  	[sflag:s0] =	ssyncadd.tile.s32 @!p0 $0x1;
	_ =	shalt  }
.Lfunc_end2:
_tile_overlayer_lowered:
.L_overlay_start_2:
0xb1: {  	(tag) =	ssettag $0x2  }
0xb2: {  	s0 =	rddreg [dreg:$0x0];
	s2 =	stileid.u32  }
0xb3: {  	s1 =	rddreg [dreg:$0x1];
	p0 =	sne.s32 s2, $0x0  }
0xb4: {  	s3 =	rddreg [dreg:$0x2];
	[bflag:$0x3] =	sbarrier.arrive $0xFFFF;
	s2 =	simm.s32 @!p0 $0x1C05  }
0xb5: {  	[timem:s3], [sflag:s2] =	dma.local @!p0 [hbm:s0], s1  }
0xb6: {  	s0 =	simm.s32 @!p0 $0x5  }
0xb7: {  	_ =	swait.ge @!p0 [sflag:s0], s1  }
0xb8: {  	s1 =	ssub.s32 @!p0 $0x0, s1;
	[sflag:s0] =	ssyncset.done @!p0 $0x0  }
0xb9: {  	[sflag:s0] =	ssyncadd.s32 @!p0 s1  }
0xba: {  	[bflag:$0x3] =	sbarrier.arrive $0xFFFF  }
0xbb: {  	_ =	shalt  }

</sc_bundles>
